<compile_context>
chip_gen: v7x
topology: tpu7x:2x2x1
jax: 0.10.2.dev20260603
libtpu: 0.0.44.dev20260713+nightly
codegen_flags: <defaults>
</compile_context>

<pallas_src>
import functools

import jax
import jax.numpy as jnp
from jax import lax
from jax.experimental import pallas as pl
from jax.experimental.pallas import tpu as pltpu
from jax.experimental.pallas import tpu_sc as plsc

_B = 16384
_D = 20
_L = 16


def kernel(lengths, table):
    lengths = lengths.astype(jnp.int32)
    info = plsc.get_sparse_core_info()
    nw = info.num_cores * info.num_subcores
    b_per_w = _B // nw
    mesh = plsc.VectorSubcoreMesh(core_axis_name="c", subcore_axis_name="s")

    @functools.partial(
        pl.kernel,
        mesh=mesh,
        out_type=jax.ShapeDtypeStruct((_B, _D), jnp.float32),
        scratch_types=[
            pltpu.VMEM((b_per_w,), jnp.int32),
            pltpu.VMEM((10, _D), jnp.float32),
            pltpu.VMEM((b_per_w, _D), jnp.float32),
            pltpu.SemaphoreType.DMA,
        ],
        compiler_params=pltpu.CompilerParams(needs_layout_passes=False),
    )
    def sc_kernel(lengths_hbm, table_hbm, out_hbm, len_v, table_v, out_v, sem):
        wid = lax.axis_index("s") * info.num_cores + lax.axis_index("c")
        base = wid * b_per_w
        pltpu.sync_copy(lengths_hbm.at[pl.ds(base, b_per_w)], len_v)
        pltpu.sync_copy(table_hbm, table_v)

        lane = lax.iota(jnp.int32, _L)
        zero = lane * 0
        cols = [zero + c for c in range(_D)]

        half = b_per_w // 2

        def make_body(lo):
            @plsc.parallel_loop(lo, lo + half // _L, unroll=2)
            def body(c):
                lv = len_v[pl.ds(c * _L, _L)]
                bv = jnp.minimum(lv, 5)
                for t in (8, 16, 32, 64):
                    bv = bv + jnp.where(lv >= t, 1, 0).astype(jnp.int32)
                rows16 = lane + c * _L
                for col in range(_D):
                    vals = plsc.load_gather(table_v, [bv, cols[col]])
                    plsc.store_scatter(out_v, [rows16, cols[col]], vals)

        make_body(0)
        pltpu.async_copy(
            out_v.at[pl.ds(0, half)], out_hbm.at[pl.ds(base, half)], sem
        )
        make_body(half // _L)
        pltpu.make_async_copy(
            out_v.at[pl.ds(0, half)], out_hbm.at[pl.ds(base, half)], sem
        ).wait()
        pltpu.sync_copy(
            out_v.at[pl.ds(half, half)], out_hbm.at[pl.ds(base + half, half)]
        )

    return sc_kernel(lengths, table)

# --- scband reference (transcript-rebuilt; emitter-appended) ---
"""Pipeline reference for scband-phi-distance-74036646249297 (READ-ONLY COPY).

The authoritative reference and input builder live on the scoring server;
editing this copy changes nothing except your own understanding.
"""

import jax, jax.numpy as jnp
import numpy as np

BINS = jnp.array([1, 2, 3, 4, 5, 8, 16, 32, 64], dtype=jnp.int64)


def setup_inputs(seed: int = 0) -> dict:
    key = jax.random.key(seed)
    k1, k2 = jax.random.split(key)
    lengths = jax.random.randint(k1, (16384,), 0, 128, dtype=jnp.int64)
    # nn.Embedding(len(bins)+1=10, distance_dim=20), default init N(0,1)
    table = jax.random.normal(k2, (10, 20), dtype=jnp.float32)
    return {"lengths": lengths, "table": table}


def length_to_bin(lengths):
    # for each num: sum([True for i in bins if num >= i]) -> count of bins <= num
    return jnp.sum(lengths[:, None] >= BINS[None, :], axis=1)


def reference(lengths, table):
    bin_tensor = length_to_bin(lengths)
    return jnp.take(table, bin_tensor, axis=0)

if __name__ == "__main__":
    import jax
    _d = setup_inputs()
    print(jax.jit(kernel)(*tuple(_d.values())))

</pallas_src>

<mosaic_0001>
#map = affine_map<(d0, d1) -> (0)>
#map1 = affine_map<(d0, d1) -> (0, 0)>
module attributes {stable_mosaic.version = 14 : i64} {
  func.func @sc_kernel(%arg0: i32, %arg1: i32, %arg2: memref<16384xi32, #tpu.memory_space<hbm>>, %arg3: memref<10x20xf32, #tpu.memory_space<hbm>>, %arg4: memref<16384x20xf32, #tpu.memory_space<hbm>>, %arg5: memref<512xi32, #tpu.memory_space<vmem>>, %arg6: memref<10x20xf32, #tpu.memory_space<vmem>>, %arg7: memref<512x20xf32, #tpu.memory_space<vmem>>, %arg8: memref<!tpu.dma_semaphore, #tpu.memory_space<semaphore_mem>>) attributes {dimension_semantics = [#tpu.dimension_semantics<core_parallel>, #tpu.dimension_semantics<subcore_parallel>], iteration_bounds = array<i64: 2, 16>, scalar_prefetch = 0 : i64, scratch_operands = 4 : i64, tpu.core_type = #tpu.core_type<sc_vector_subcore>, window_params = [{transform_indices = #map}, {transform_indices = #map1}, {transform_indices = #map1}]} {
    %mul3A = arith.constant 2 : i32
    %mul3A_0 = arith.muli %arg1, %mul3A : i32
    %add3A = arith.addi %mul3A_0, %arg0 : i32
    %mul3A_1 = arith.constant 512 : i32
    %mul3A_2 = arith.muli %add3A, %mul3A_1 : i32
    "tpu.region"() ({
      %run_scoped3A = tpu.sem_alloc : memref<!tpu.dma_semaphore, #tpu.memory_space<semaphore_mem>>
      %dma_start3A_91 = tpu.memref_slice %arg2[%mul3A_2] : memref<16384xi32, #tpu.memory_space<hbm>> -> memref<512xi32, #tpu.memory_space<hbm>>
      %dma_start3A_92 = tpu.memref_slice %arg2[%mul3A_2] : memref<16384xi32, #tpu.memory_space<hbm>> -> memref<512xi32, #tpu.memory_space<hbm>>
      tpu.enqueue_dma source(%dma_start3A_92 : memref<512xi32, #tpu.memory_space<hbm>>) target(%arg5 : memref<512xi32, #tpu.memory_space<vmem>>) target_semaphore(%run_scoped3A : memref<!tpu.dma_semaphore, #tpu.memory_space<semaphore_mem>>)
      %dma_wait3A_93 = tpu.memref_slice %arg2[%mul3A_2] : memref<16384xi32, #tpu.memory_space<hbm>> -> memref<512xi32, #tpu.memory_space<hbm>>
      %dma_wait3A_94 = tpu.memref_slice %arg2[%mul3A_2] : memref<16384xi32, #tpu.memory_space<hbm>> -> memref<512xi32, #tpu.memory_space<hbm>>
      tpu.wait_dma2 semaphore(%run_scoped3A : memref<!tpu.dma_semaphore, #tpu.memory_space<semaphore_mem>>) src(%dma_wait3A_94 : memref<512xi32, #tpu.memory_space<hbm>>) dst(%arg5 : memref<512xi32, #tpu.memory_space<vmem>>)
      tpu.yield
    }) : () -> ()
    "tpu.region"() ({
      %run_scoped3A = tpu.sem_alloc : memref<!tpu.dma_semaphore, #tpu.memory_space<semaphore_mem>>
      tpu.enqueue_dma source(%arg3 : memref<10x20xf32, #tpu.memory_space<hbm>>) target(%arg6 : memref<10x20xf32, #tpu.memory_space<vmem>>) target_semaphore(%run_scoped3A : memref<!tpu.dma_semaphore, #tpu.memory_space<semaphore_mem>>)
      tpu.wait_dma2 semaphore(%run_scoped3A : memref<!tpu.dma_semaphore, #tpu.memory_space<semaphore_mem>>) src(%arg3 : memref<10x20xf32, #tpu.memory_space<hbm>>) dst(%arg6 : memref<10x20xf32, #tpu.memory_space<vmem>>)
      tpu.yield
    }) : () -> ()
    %iota3A = tpu.iota {dimensions = array<i32: 0>} : vector<16xi32>
    %mul3A_3 = arith.constant 0 : i32
    %mul3A_4 = vector.broadcast %mul3A_3 : i32 to vector<16xi32>
    %mul3A_5 = arith.muli %iota3A, %mul3A_4 : vector<16xi32>
    %add3A_6 = arith.constant 0 : i32
    %add3A_7 = vector.broadcast %add3A_6 : i32 to vector<16xi32>
    %add3A_8 = arith.addi %mul3A_5, %add3A_7 : vector<16xi32>
    %add3A_9 = arith.constant 1 : i32
    %add3A_10 = vector.broadcast %add3A_9 : i32 to vector<16xi32>
    %add3A_11 = arith.addi %mul3A_5, %add3A_10 : vector<16xi32>
    %add3A_12 = arith.constant 2 : i32
    %add3A_13 = vector.broadcast %add3A_12 : i32 to vector<16xi32>
    %add3A_14 = arith.addi %mul3A_5, %add3A_13 : vector<16xi32>
    %add3A_15 = arith.constant 3 : i32
    %add3A_16 = vector.broadcast %add3A_15 : i32 to vector<16xi32>
    %add3A_17 = arith.addi %mul3A_5, %add3A_16 : vector<16xi32>
    %add3A_18 = arith.constant 4 : i32
    %add3A_19 = vector.broadcast %add3A_18 : i32 to vector<16xi32>
    %add3A_20 = arith.addi %mul3A_5, %add3A_19 : vector<16xi32>
    %add3A_21 = arith.constant 5 : i32
    %add3A_22 = vector.broadcast %add3A_21 : i32 to vector<16xi32>
    %add3A_23 = arith.addi %mul3A_5, %add3A_22 : vector<16xi32>
    %add3A_24 = arith.constant 6 : i32
    %add3A_25 = vector.broadcast %add3A_24 : i32 to vector<16xi32>
    %add3A_26 = arith.addi %mul3A_5, %add3A_25 : vector<16xi32>
    %add3A_27 = arith.constant 7 : i32
    %add3A_28 = vector.broadcast %add3A_27 : i32 to vector<16xi32>
    %add3A_29 = arith.addi %mul3A_5, %add3A_28 : vector<16xi32>
    %add3A_30 = arith.constant 8 : i32
    %add3A_31 = vector.broadcast %add3A_30 : i32 to vector<16xi32>
    %add3A_32 = arith.addi %mul3A_5, %add3A_31 : vector<16xi32>
    %add3A_33 = arith.constant 9 : i32
    %add3A_34 = vector.broadcast %add3A_33 : i32 to vector<16xi32>
    %add3A_35 = arith.addi %mul3A_5, %add3A_34 : vector<16xi32>
    %add3A_36 = arith.constant 10 : i32
    %add3A_37 = vector.broadcast %add3A_36 : i32 to vector<16xi32>
    %add3A_38 = arith.addi %mul3A_5, %add3A_37 : vector<16xi32>
    %add3A_39 = arith.constant 11 : i32
    %add3A_40 = vector.broadcast %add3A_39 : i32 to vector<16xi32>
    %add3A_41 = arith.addi %mul3A_5, %add3A_40 : vector<16xi32>
    %add3A_42 = arith.constant 12 : i32
    %add3A_43 = vector.broadcast %add3A_42 : i32 to vector<16xi32>
    %add3A_44 = arith.addi %mul3A_5, %add3A_43 : vector<16xi32>
    %add3A_45 = arith.constant 13 : i32
    %add3A_46 = vector.broadcast %add3A_45 : i32 to vector<16xi32>
    %add3A_47 = arith.addi %mul3A_5, %add3A_46 : vector<16xi32>
    %add3A_48 = arith.constant 14 : i32
    %add3A_49 = vector.broadcast %add3A_48 : i32 to vector<16xi32>
    %add3A_50 = arith.addi %mul3A_5, %add3A_49 : vector<16xi32>
    %add3A_51 = arith.constant 15 : i32
    %add3A_52 = vector.broadcast %add3A_51 : i32 to vector<16xi32>
    %add3A_53 = arith.addi %mul3A_5, %add3A_52 : vector<16xi32>
    %add3A_54 = arith.constant 16 : i32
    %add3A_55 = vector.broadcast %add3A_54 : i32 to vector<16xi32>
    %add3A_56 = arith.addi %mul3A_5, %add3A_55 : vector<16xi32>
    %add3A_57 = arith.constant 17 : i32
    %add3A_58 = vector.broadcast %add3A_57 : i32 to vector<16xi32>
    %add3A_59 = arith.addi %mul3A_5, %add3A_58 : vector<16xi32>
    %add3A_60 = arith.constant 18 : i32
    %add3A_61 = vector.broadcast %add3A_60 : i32 to vector<16xi32>
    %add3A_62 = arith.addi %mul3A_5, %add3A_61 : vector<16xi32>
    %add3A_63 = arith.constant 19 : i32
    %add3A_64 = vector.broadcast %add3A_63 : i32 to vector<16xi32>
    %add3A_65 = arith.addi %mul3A_5, %add3A_64 : vector<16xi32>
    %parallel_loop3A = arith.constant 0 : i32
    %parallel_loop3A_66 = arith.constant 16 : i32
    %parallel_loop3A_67 = arith.constant 1 : i32
    scf.for %parallel_loop3A_91 = %parallel_loop3A to %parallel_loop3A_66 step %parallel_loop3A_67  : i32 {
      %parallel_loop3A_92 = arith.constant 16 : i32
      %parallel_loop3A_93 = arith.muli %parallel_loop3A_91, %parallel_loop3A_92 : i32
      %parallel_loop3A_94 = arith.index_cast %parallel_loop3A_93 : i32 to index
      %parallel_loop3A_95 = tpu.vector_load %arg5[%parallel_loop3A_94] {strides = array<i32>} : memref<512xi32, #tpu.memory_space<vmem>>, vector<16xi32>,
      %parallel_loop3A_96 = arith.constant 5 : i32
      %parallel_loop3A_97 = vector.broadcast %parallel_loop3A_96 : i32 to vector<16xi32>
      %parallel_loop3A_98 = arith.minsi %parallel_loop3A_95, %parallel_loop3A_97 : vector<16xi32>
      %parallel_loop3A_99 = arith.constant 8 : i32
      %parallel_loop3A_100 = vector.broadcast %parallel_loop3A_99 : i32 to vector<16xi32>
      %parallel_loop3A_101 = arith.cmpi sge, %parallel_loop3A_95, %parallel_loop3A_100 : vector<16xi32>
      %parallel_loop3A_102 = arith.constant 1 : i32
      %parallel_loop3A_103 = arith.constant 0 : i32
      %parallel_loop3A_104 = vector.broadcast %parallel_loop3A_102 : i32 to vector<16xi32>
      %parallel_loop3A_105 = vector.broadcast %parallel_loop3A_103 : i32 to vector<16xi32>
      %parallel_loop3A_106 = arith.select %parallel_loop3A_101, %parallel_loop3A_104, %parallel_loop3A_105 : vector<16xi1>, vector<16xi32>
      %parallel_loop3A_107 = arith.addi %parallel_loop3A_98, %parallel_loop3A_106 : vector<16xi32>
      %parallel_loop3A_108 = arith.constant 16 : i32
      %parallel_loop3A_109 = vector.broadcast %parallel_loop3A_108 : i32 to vector<16xi32>
      %parallel_loop3A_110 = arith.cmpi sge, %parallel_loop3A_95, %parallel_loop3A_109 : vector<16xi32>
      %parallel_loop3A_111 = arith.constant 1 : i32
      %parallel_loop3A_112 = arith.constant 0 : i32
      %parallel_loop3A_113 = vector.broadcast %parallel_loop3A_111 : i32 to vector<16xi32>
      %parallel_loop3A_114 = vector.broadcast %parallel_loop3A_112 : i32 to vector<16xi32>
      %parallel_loop3A_115 = arith.select %parallel_loop3A_110, %parallel_loop3A_113, %parallel_loop3A_114 : vector<16xi1>, vector<16xi32>
      %parallel_loop3A_116 = arith.addi %parallel_loop3A_107, %parallel_loop3A_115 : vector<16xi32>
      %parallel_loop3A_117 = arith.constant 32 : i32
      %parallel_loop3A_118 = vector.broadcast %parallel_loop3A_117 : i32 to vector<16xi32>
      %parallel_loop3A_119 = arith.cmpi sge, %parallel_loop3A_95, %parallel_loop3A_118 : vector<16xi32>
      %parallel_loop3A_120 = arith.constant 1 : i32
      %parallel_loop3A_121 = arith.constant 0 : i32
      %parallel_loop3A_122 = vector.broadcast %parallel_loop3A_120 : i32 to vector<16xi32>
      %parallel_loop3A_123 = vector.broadcast %parallel_loop3A_121 : i32 to vector<16xi32>
      %parallel_loop3A_124 = arith.select %parallel_loop3A_119, %parallel_loop3A_122, %parallel_loop3A_123 : vector<16xi1>, vector<16xi32>
      %parallel_loop3A_125 = arith.addi %parallel_loop3A_116, %parallel_loop3A_124 : vector<16xi32>
      %parallel_loop3A_126 = arith.constant 64 : i32
      %parallel_loop3A_127 = vector.broadcast %parallel_loop3A_126 : i32 to vector<16xi32>
      %parallel_loop3A_128 = arith.cmpi sge, %parallel_loop3A_95, %parallel_loop3A_127 : vector<16xi32>
      %parallel_loop3A_129 = arith.constant 1 : i32
      %parallel_loop3A_130 = arith.constant 0 : i32
      %parallel_loop3A_131 = vector.broadcast %parallel_loop3A_129 : i32 to vector<16xi32>
      %parallel_loop3A_132 = vector.broadcast %parallel_loop3A_130 : i32 to vector<16xi32>
      %parallel_loop3A_133 = arith.select %parallel_loop3A_128, %parallel_loop3A_131, %parallel_loop3A_132 : vector<16xi1>, vector<16xi32>
      %parallel_loop3A_134 = arith.addi %parallel_loop3A_125, %parallel_loop3A_133 : vector<16xi32>
      %parallel_loop3A_135 = arith.constant 16 : i32
      %parallel_loop3A_136 = arith.muli %parallel_loop3A_91, %parallel_loop3A_135 : i32
      %parallel_loop3A_137 = vector.broadcast %parallel_loop3A_136 : i32 to vector<16xi32>
      %parallel_loop3A_138 = arith.addi %iota3A, %parallel_loop3A_137 : vector<16xi32>
      %parallel_loop3A_139 = tpu.vector_load_idx %arg6[%parallel_loop3A_134, %add3A_8] : memref<10x20xf32, #tpu.memory_space<vmem>>[vector<16xi32>, vector<16xi32>], vector<16xf32>,
      tpu.vector_store_idx %arg7[%parallel_loop3A_138, %add3A_8], %parallel_loop3A_139 : memref<512x20xf32, #tpu.memory_space<vmem>>[vector<16xi32>, vector<16xi32>], vector<16xf32>,
      %parallel_loop3A_140 = tpu.vector_load_idx %arg6[%parallel_loop3A_134, %add3A_11] : memref<10x20xf32, #tpu.memory_space<vmem>>[vector<16xi32>, vector<16xi32>], vector<16xf32>,
      tpu.vector_store_idx %arg7[%parallel_loop3A_138, %add3A_11], %parallel_loop3A_140 : memref<512x20xf32, #tpu.memory_space<vmem>>[vector<16xi32>, vector<16xi32>], vector<16xf32>,
      %parallel_loop3A_141 = tpu.vector_load_idx %arg6[%parallel_loop3A_134, %add3A_14] : memref<10x20xf32, #tpu.memory_space<vmem>>[vector<16xi32>, vector<16xi32>], vector<16xf32>,
      tpu.vector_store_idx %arg7[%parallel_loop3A_138, %add3A_14], %parallel_loop3A_141 : memref<512x20xf32, #tpu.memory_space<vmem>>[vector<16xi32>, vector<16xi32>], vector<16xf32>,
      %parallel_loop3A_142 = tpu.vector_load_idx %arg6[%parallel_loop3A_134, %add3A_17] : memref<10x20xf32, #tpu.memory_space<vmem>>[vector<16xi32>, vector<16xi32>], vector<16xf32>,
      tpu.vector_store_idx %arg7[%parallel_loop3A_138, %add3A_17], %parallel_loop3A_142 : memref<512x20xf32, #tpu.memory_space<vmem>>[vector<16xi32>, vector<16xi32>], vector<16xf32>,
      %parallel_loop3A_143 = tpu.vector_load_idx %arg6[%parallel_loop3A_134, %add3A_20] : memref<10x20xf32, #tpu.memory_space<vmem>>[vector<16xi32>, vector<16xi32>], vector<16xf32>,
      tpu.vector_store_idx %arg7[%parallel_loop3A_138, %add3A_20], %parallel_loop3A_143 : memref<512x20xf32, #tpu.memory_space<vmem>>[vector<16xi32>, vector<16xi32>], vector<16xf32>,
      %parallel_loop3A_144 = tpu.vector_load_idx %arg6[%parallel_loop3A_134, %add3A_23] : memref<10x20xf32, #tpu.memory_space<vmem>>[vector<16xi32>, vector<16xi32>], vector<16xf32>,
      tpu.vector_store_idx %arg7[%parallel_loop3A_138, %add3A_23], %parallel_loop3A_144 : memref<512x20xf32, #tpu.memory_space<vmem>>[vector<16xi32>, vector<16xi32>], vector<16xf32>,
      %parallel_loop3A_145 = tpu.vector_load_idx %arg6[%parallel_loop3A_134, %add3A_26] : memref<10x20xf32, #tpu.memory_space<vmem>>[vector<16xi32>, vector<16xi32>], vector<16xf32>,
      tpu.vector_store_idx %arg7[%parallel_loop3A_138, %add3A_26], %parallel_loop3A_145 : memref<512x20xf32, #tpu.memory_space<vmem>>[vector<16xi32>, vector<16xi32>], vector<16xf32>,
      %parallel_loop3A_146 = tpu.vector_load_idx %arg6[%parallel_loop3A_134, %add3A_29] : memref<10x20xf32, #tpu.memory_space<vmem>>[vector<16xi32>, vector<16xi32>], vector<16xf32>,
      tpu.vector_store_idx %arg7[%parallel_loop3A_138, %add3A_29], %parallel_loop3A_146 : memref<512x20xf32, #tpu.memory_space<vmem>>[vector<16xi32>, vector<16xi32>], vector<16xf32>,
      %parallel_loop3A_147 = tpu.vector_load_idx %arg6[%parallel_loop3A_134, %add3A_32] : memref<10x20xf32, #tpu.memory_space<vmem>>[vector<16xi32>, vector<16xi32>], vector<16xf32>,
      tpu.vector_store_idx %arg7[%parallel_loop3A_138, %add3A_32], %parallel_loop3A_147 : memref<512x20xf32, #tpu.memory_space<vmem>>[vector<16xi32>, vector<16xi32>], vector<16xf32>,
      %parallel_loop3A_148 = tpu.vector_load_idx %arg6[%parallel_loop3A_134, %add3A_35] : memref<10x20xf32, #tpu.memory_space<vmem>>[vector<16xi32>, vector<16xi32>], vector<16xf32>,
      tpu.vector_store_idx %arg7[%parallel_loop3A_138, %add3A_35], %parallel_loop3A_148 : memref<512x20xf32, #tpu.memory_space<vmem>>[vector<16xi32>, vector<16xi32>], vector<16xf32>,
      %parallel_loop3A_149 = tpu.vector_load_idx %arg6[%parallel_loop3A_134, %add3A_38] : memref<10x20xf32, #tpu.memory_space<vmem>>[vector<16xi32>, vector<16xi32>], vector<16xf32>,
      tpu.vector_store_idx %arg7[%parallel_loop3A_138, %add3A_38], %parallel_loop3A_149 : memref<512x20xf32, #tpu.memory_space<vmem>>[vector<16xi32>, vector<16xi32>], vector<16xf32>,
      %parallel_loop3A_150 = tpu.vector_load_idx %arg6[%parallel_loop3A_134, %add3A_41] : memref<10x20xf32, #tpu.memory_space<vmem>>[vector<16xi32>, vector<16xi32>], vector<16xf32>,
      tpu.vector_store_idx %arg7[%parallel_loop3A_138, %add3A_41], %parallel_loop3A_150 : memref<512x20xf32, #tpu.memory_space<vmem>>[vector<16xi32>, vector<16xi32>], vector<16xf32>,
      %parallel_loop3A_151 = tpu.vector_load_idx %arg6[%parallel_loop3A_134, %add3A_44] : memref<10x20xf32, #tpu.memory_space<vmem>>[vector<16xi32>, vector<16xi32>], vector<16xf32>,
      tpu.vector_store_idx %arg7[%parallel_loop3A_138, %add3A_44], %parallel_loop3A_151 : memref<512x20xf32, #tpu.memory_space<vmem>>[vector<16xi32>, vector<16xi32>], vector<16xf32>,
      %parallel_loop3A_152 = tpu.vector_load_idx %arg6[%parallel_loop3A_134, %add3A_47] : memref<10x20xf32, #tpu.memory_space<vmem>>[vector<16xi32>, vector<16xi32>], vector<16xf32>,
      tpu.vector_store_idx %arg7[%parallel_loop3A_138, %add3A_47], %parallel_loop3A_152 : memref<512x20xf32, #tpu.memory_space<vmem>>[vector<16xi32>, vector<16xi32>], vector<16xf32>,
      %parallel_loop3A_153 = tpu.vector_load_idx %arg6[%parallel_loop3A_134, %add3A_50] : memref<10x20xf32, #tpu.memory_space<vmem>>[vector<16xi32>, vector<16xi32>], vector<16xf32>,
      tpu.vector_store_idx %arg7[%parallel_loop3A_138, %add3A_50], %parallel_loop3A_153 : memref<512x20xf32, #tpu.memory_space<vmem>>[vector<16xi32>, vector<16xi32>], vector<16xf32>,
      %parallel_loop3A_154 = tpu.vector_load_idx %arg6[%parallel_loop3A_134, %add3A_53] : memref<10x20xf32, #tpu.memory_space<vmem>>[vector<16xi32>, vector<16xi32>], vector<16xf32>,
      tpu.vector_store_idx %arg7[%parallel_loop3A_138, %add3A_53], %parallel_loop3A_154 : memref<512x20xf32, #tpu.memory_space<vmem>>[vector<16xi32>, vector<16xi32>], vector<16xf32>,
      %parallel_loop3A_155 = tpu.vector_load_idx %arg6[%parallel_loop3A_134, %add3A_56] : memref<10x20xf32, #tpu.memory_space<vmem>>[vector<16xi32>, vector<16xi32>], vector<16xf32>,
      tpu.vector_store_idx %arg7[%parallel_loop3A_138, %add3A_56], %parallel_loop3A_155 : memref<512x20xf32, #tpu.memory_space<vmem>>[vector<16xi32>, vector<16xi32>], vector<16xf32>,
      %parallel_loop3A_156 = tpu.vector_load_idx %arg6[%parallel_loop3A_134, %add3A_59] : memref<10x20xf32, #tpu.memory_space<vmem>>[vector<16xi32>, vector<16xi32>], vector<16xf32>,
      tpu.vector_store_idx %arg7[%parallel_loop3A_138, %add3A_59], %parallel_loop3A_156 : memref<512x20xf32, #tpu.memory_space<vmem>>[vector<16xi32>, vector<16xi32>], vector<16xf32>,
      %parallel_loop3A_157 = tpu.vector_load_idx %arg6[%parallel_loop3A_134, %add3A_62] : memref<10x20xf32, #tpu.memory_space<vmem>>[vector<16xi32>, vector<16xi32>], vector<16xf32>,
      tpu.vector_store_idx %arg7[%parallel_loop3A_138, %add3A_62], %parallel_loop3A_157 : memref<512x20xf32, #tpu.memory_space<vmem>>[vector<16xi32>, vector<16xi32>], vector<16xf32>,
      %parallel_loop3A_158 = tpu.vector_load_idx %arg6[%parallel_loop3A_134, %add3A_65] : memref<10x20xf32, #tpu.memory_space<vmem>>[vector<16xi32>, vector<16xi32>], vector<16xf32>,
      tpu.vector_store_idx %arg7[%parallel_loop3A_138, %add3A_65], %parallel_loop3A_158 : memref<512x20xf32, #tpu.memory_space<vmem>>[vector<16xi32>, vector<16xi32>], vector<16xf32>,
    } {sc.loop_unroll_factor = 2 : i64, sc.parallel_access}
    %dma_start3A = arith.constant 0 : i32
    %dma_start3A_68 = arith.constant 0 : i32
    %dma_start3A_69 = tpu.memref_slice %arg7[%dma_start3A, %dma_start3A_68] : memref<512x20xf32, #tpu.memory_space<vmem>> -> memref<256x20xf32, #tpu.memory_space<vmem>>
    %dma_start3A_70 = arith.constant 0 : i32
    %dma_start3A_71 = tpu.memref_slice %arg4[%mul3A_2, %dma_start3A_70] : memref<16384x20xf32, #tpu.memory_space<hbm>> -> memref<256x20xf32, #tpu.memory_space<hbm>>
    %dma_start3A_72 = arith.constant 0 : i32
    %dma_start3A_73 = tpu.memref_slice %arg4[%mul3A_2, %dma_start3A_72] : memref<16384x20xf32, #tpu.memory_space<hbm>> -> memref<256x20xf32, #tpu.memory_space<hbm>>
    %dma_start3A_74 = arith.constant 0 : i32
    %dma_start3A_75 = arith.constant 0 : i32
    %dma_start3A_76 = tpu.memref_slice %arg7[%dma_start3A_74, %dma_start3A_75] : memref<512x20xf32, #tpu.memory_space<vmem>> -> memref<256x20xf32, #tpu.memory_space<vmem>>
    tpu.enqueue_dma source(%dma_start3A_76 : memref<256x20xf32, #tpu.memory_space<vmem>>) target(%dma_start3A_73 : memref<256x20xf32, #tpu.memory_space<hbm>>) target_semaphore(%arg8 : memref<!tpu.dma_semaphore, #tpu.memory_space<semaphore_mem>>)
    %parallel_loop3A_77 = arith.constant 16 : i32
    %parallel_loop3A_78 = arith.constant 32 : i32
    %parallel_loop3A_79 = arith.constant 1 : i32
    scf.for %parallel_loop3A_91 = %parallel_loop3A_77 to %parallel_loop3A_78 step %parallel_loop3A_79  : i32 {
      %parallel_loop3A_92 = arith.constant 16 : i32
      %parallel_loop3A_93 = arith.muli %parallel_loop3A_91, %parallel_loop3A_92 : i32
      %parallel_loop3A_94 = arith.index_cast %parallel_loop3A_93 : i32 to index
      %parallel_loop3A_95 = tpu.vector_load %arg5[%parallel_loop3A_94] {strides = array<i32>} : memref<512xi32, #tpu.memory_space<vmem>>, vector<16xi32>,
      %parallel_loop3A_96 = arith.constant 5 : i32
      %parallel_loop3A_97 = vector.broadcast %parallel_loop3A_96 : i32 to vector<16xi32>
      %parallel_loop3A_98 = arith.minsi %parallel_loop3A_95, %parallel_loop3A_97 : vector<16xi32>
      %parallel_loop3A_99 = arith.constant 8 : i32
      %parallel_loop3A_100 = vector.broadcast %parallel_loop3A_99 : i32 to vector<16xi32>
      %parallel_loop3A_101 = arith.cmpi sge, %parallel_loop3A_95, %parallel_loop3A_100 : vector<16xi32>
      %parallel_loop3A_102 = arith.constant 1 : i32
      %parallel_loop3A_103 = arith.constant 0 : i32
      %parallel_loop3A_104 = vector.broadcast %parallel_loop3A_102 : i32 to vector<16xi32>
      %parallel_loop3A_105 = vector.broadcast %parallel_loop3A_103 : i32 to vector<16xi32>
      %parallel_loop3A_106 = arith.select %parallel_loop3A_101, %parallel_loop3A_104, %parallel_loop3A_105 : vector<16xi1>, vector<16xi32>
      %parallel_loop3A_107 = arith.addi %parallel_loop3A_98, %parallel_loop3A_106 : vector<16xi32>
      %parallel_loop3A_108 = arith.constant 16 : i32
      %parallel_loop3A_109 = vector.broadcast %parallel_loop3A_108 : i32 to vector<16xi32>
      %parallel_loop3A_110 = arith.cmpi sge, %parallel_loop3A_95, %parallel_loop3A_109 : vector<16xi32>
      %parallel_loop3A_111 = arith.constant 1 : i32
      %parallel_loop3A_112 = arith.constant 0 : i32
      %parallel_loop3A_113 = vector.broadcast %parallel_loop3A_111 : i32 to vector<16xi32>
      %parallel_loop3A_114 = vector.broadcast %parallel_loop3A_112 : i32 to vector<16xi32>
      %parallel_loop3A_115 = arith.select %parallel_loop3A_110, %parallel_loop3A_113, %parallel_loop3A_114 : vector<16xi1>, vector<16xi32>
      %parallel_loop3A_116 = arith.addi %parallel_loop3A_107, %parallel_loop3A_115 : vector<16xi32>
      %parallel_loop3A_117 = arith.constant 32 : i32
      %parallel_loop3A_118 = vector.broadcast %parallel_loop3A_117 : i32 to vector<16xi32>
      %parallel_loop3A_119 = arith.cmpi sge, %parallel_loop3A_95, %parallel_loop3A_118 : vector<16xi32>
      %parallel_loop3A_120 = arith.constant 1 : i32
      %parallel_loop3A_121 = arith.constant 0 : i32
      %parallel_loop3A_122 = vector.broadcast %parallel_loop3A_120 : i32 to vector<16xi32>
      %parallel_loop3A_123 = vector.broadcast %parallel_loop3A_121 : i32 to vector<16xi32>
      %parallel_loop3A_124 = arith.select %parallel_loop3A_119, %parallel_loop3A_122, %parallel_loop3A_123 : vector<16xi1>, vector<16xi32>
      %parallel_loop3A_125 = arith.addi %parallel_loop3A_116, %parallel_loop3A_124 : vector<16xi32>
      %parallel_loop3A_126 = arith.constant 64 : i32
      %parallel_loop3A_127 = vector.broadcast %parallel_loop3A_126 : i32 to vector<16xi32>
      %parallel_loop3A_128 = arith.cmpi sge, %parallel_loop3A_95, %parallel_loop3A_127 : vector<16xi32>
      %parallel_loop3A_129 = arith.constant 1 : i32
      %parallel_loop3A_130 = arith.constant 0 : i32
      %parallel_loop3A_131 = vector.broadcast %parallel_loop3A_129 : i32 to vector<16xi32>
      %parallel_loop3A_132 = vector.broadcast %parallel_loop3A_130 : i32 to vector<16xi32>
      %parallel_loop3A_133 = arith.select %parallel_loop3A_128, %parallel_loop3A_131, %parallel_loop3A_132 : vector<16xi1>, vector<16xi32>
      %parallel_loop3A_134 = arith.addi %parallel_loop3A_125, %parallel_loop3A_133 : vector<16xi32>
      %parallel_loop3A_135 = arith.constant 16 : i32
      %parallel_loop3A_136 = arith.muli %parallel_loop3A_91, %parallel_loop3A_135 : i32
      %parallel_loop3A_137 = vector.broadcast %parallel_loop3A_136 : i32 to vector<16xi32>
      %parallel_loop3A_138 = arith.addi %iota3A, %parallel_loop3A_137 : vector<16xi32>
      %parallel_loop3A_139 = tpu.vector_load_idx %arg6[%parallel_loop3A_134, %add3A_8] : memref<10x20xf32, #tpu.memory_space<vmem>>[vector<16xi32>, vector<16xi32>], vector<16xf32>,
      tpu.vector_store_idx %arg7[%parallel_loop3A_138, %add3A_8], %parallel_loop3A_139 : memref<512x20xf32, #tpu.memory_space<vmem>>[vector<16xi32>, vector<16xi32>], vector<16xf32>,
      %parallel_loop3A_140 = tpu.vector_load_idx %arg6[%parallel_loop3A_134, %add3A_11] : memref<10x20xf32, #tpu.memory_space<vmem>>[vector<16xi32>, vector<16xi32>], vector<16xf32>,
      tpu.vector_store_idx %arg7[%parallel_loop3A_138, %add3A_11], %parallel_loop3A_140 : memref<512x20xf32, #tpu.memory_space<vmem>>[vector<16xi32>, vector<16xi32>], vector<16xf32>,
      %parallel_loop3A_141 = tpu.vector_load_idx %arg6[%parallel_loop3A_134, %add3A_14] : memref<10x20xf32, #tpu.memory_space<vmem>>[vector<16xi32>, vector<16xi32>], vector<16xf32>,
      tpu.vector_store_idx %arg7[%parallel_loop3A_138, %add3A_14], %parallel_loop3A_141 : memref<512x20xf32, #tpu.memory_space<vmem>>[vector<16xi32>, vector<16xi32>], vector<16xf32>,
      %parallel_loop3A_142 = tpu.vector_load_idx %arg6[%parallel_loop3A_134, %add3A_17] : memref<10x20xf32, #tpu.memory_space<vmem>>[vector<16xi32>, vector<16xi32>], vector<16xf32>,
      tpu.vector_store_idx %arg7[%parallel_loop3A_138, %add3A_17], %parallel_loop3A_142 : memref<512x20xf32, #tpu.memory_space<vmem>>[vector<16xi32>, vector<16xi32>], vector<16xf32>,
      %parallel_loop3A_143 = tpu.vector_load_idx %arg6[%parallel_loop3A_134, %add3A_20] : memref<10x20xf32, #tpu.memory_space<vmem>>[vector<16xi32>, vector<16xi32>], vector<16xf32>,
      tpu.vector_store_idx %arg7[%parallel_loop3A_138, %add3A_20], %parallel_loop3A_143 : memref<512x20xf32, #tpu.memory_space<vmem>>[vector<16xi32>, vector<16xi32>], vector<16xf32>,
      %parallel_loop3A_144 = tpu.vector_load_idx %arg6[%parallel_loop3A_134, %add3A_23] : memref<10x20xf32, #tpu.memory_space<vmem>>[vector<16xi32>, vector<16xi32>], vector<16xf32>,
      tpu.vector_store_idx %arg7[%parallel_loop3A_138, %add3A_23], %parallel_loop3A_144 : memref<512x20xf32, #tpu.memory_space<vmem>>[vector<16xi32>, vector<16xi32>], vector<16xf32>,
      %parallel_loop3A_145 = tpu.vector_load_idx %arg6[%parallel_loop3A_134, %add3A_26] : memref<10x20xf32, #tpu.memory_space<vmem>>[vector<16xi32>, vector<16xi32>], vector<16xf32>,
      tpu.vector_store_idx %arg7[%parallel_loop3A_138, %add3A_26], %parallel_loop3A_145 : memref<512x20xf32, #tpu.memory_space<vmem>>[vector<16xi32>, vector<16xi32>], vector<16xf32>,
      %parallel_loop3A_146 = tpu.vector_load_idx %arg6[%parallel_loop3A_134, %add3A_29] : memref<10x20xf32, #tpu.memory_space<vmem>>[vector<16xi32>, vector<16xi32>], vector<16xf32>,
      tpu.vector_store_idx %arg7[%parallel_loop3A_138, %add3A_29], %parallel_loop3A_146 : memref<512x20xf32, #tpu.memory_space<vmem>>[vector<16xi32>, vector<16xi32>], vector<16xf32>,
      %parallel_loop3A_147 = tpu.vector_load_idx %arg6[%parallel_loop3A_134, %add3A_32] : memref<10x20xf32, #tpu.memory_space<vmem>>[vector<16xi32>, vector<16xi32>], vector<16xf32>,
      tpu.vector_store_idx %arg7[%parallel_loop3A_138, %add3A_32], %parallel_loop3A_147 : memref<512x20xf32, #tpu.memory_space<vmem>>[vector<16xi32>, vector<16xi32>], vector<16xf32>,
      %parallel_loop3A_148 = tpu.vector_load_idx %arg6[%parallel_loop3A_134, %add3A_35] : memref<10x20xf32, #tpu.memory_space<vmem>>[vector<16xi32>, vector<16xi32>], vector<16xf32>,
      tpu.vector_store_idx %arg7[%parallel_loop3A_138, %add3A_35], %parallel_loop3A_148 : memref<512x20xf32, #tpu.memory_space<vmem>>[vector<16xi32>, vector<16xi32>], vector<16xf32>,
      %parallel_loop3A_149 = tpu.vector_load_idx %arg6[%parallel_loop3A_134, %add3A_38] : memref<10x20xf32, #tpu.memory_space<vmem>>[vector<16xi32>, vector<16xi32>], vector<16xf32>,
      tpu.vector_store_idx %arg7[%parallel_loop3A_138, %add3A_38], %parallel_loop3A_149 : memref<512x20xf32, #tpu.memory_space<vmem>>[vector<16xi32>, vector<16xi32>], vector<16xf32>,
      %parallel_loop3A_150 = tpu.vector_load_idx %arg6[%parallel_loop3A_134, %add3A_41] : memref<10x20xf32, #tpu.memory_space<vmem>>[vector<16xi32>, vector<16xi32>], vector<16xf32>,
      tpu.vector_store_idx %arg7[%parallel_loop3A_138, %add3A_41], %parallel_loop3A_150 : memref<512x20xf32, #tpu.memory_space<vmem>>[vector<16xi32>, vector<16xi32>], vector<16xf32>,
      %parallel_loop3A_151 = tpu.vector_load_idx %arg6[%parallel_loop3A_134, %add3A_44] : memref<10x20xf32, #tpu.memory_space<vmem>>[vector<16xi32>, vector<16xi32>], vector<16xf32>,
      tpu.vector_store_idx %arg7[%parallel_loop3A_138, %add3A_44], %parallel_loop3A_151 : memref<512x20xf32, #tpu.memory_space<vmem>>[vector<16xi32>, vector<16xi32>], vector<16xf32>,
      %parallel_loop3A_152 = tpu.vector_load_idx %arg6[%parallel_loop3A_134, %add3A_47] : memref<10x20xf32, #tpu.memory_space<vmem>>[vector<16xi32>, vector<16xi32>], vector<16xf32>,
      tpu.vector_store_idx %arg7[%parallel_loop3A_138, %add3A_47], %parallel_loop3A_152 : memref<512x20xf32, #tpu.memory_space<vmem>>[vector<16xi32>, vector<16xi32>], vector<16xf32>,
      %parallel_loop3A_153 = tpu.vector_load_idx %arg6[%parallel_loop3A_134, %add3A_50] : memref<10x20xf32, #tpu.memory_space<vmem>>[vector<16xi32>, vector<16xi32>], vector<16xf32>,
      tpu.vector_store_idx %arg7[%parallel_loop3A_138, %add3A_50], %parallel_loop3A_153 : memref<512x20xf32, #tpu.memory_space<vmem>>[vector<16xi32>, vector<16xi32>], vector<16xf32>,
      %parallel_loop3A_154 = tpu.vector_load_idx %arg6[%parallel_loop3A_134, %add3A_53] : memref<10x20xf32, #tpu.memory_space<vmem>>[vector<16xi32>, vector<16xi32>], vector<16xf32>,
      tpu.vector_store_idx %arg7[%parallel_loop3A_138, %add3A_53], %parallel_loop3A_154 : memref<512x20xf32, #tpu.memory_space<vmem>>[vector<16xi32>, vector<16xi32>], vector<16xf32>,
      %parallel_loop3A_155 = tpu.vector_load_idx %arg6[%parallel_loop3A_134, %add3A_56] : memref<10x20xf32, #tpu.memory_space<vmem>>[vector<16xi32>, vector<16xi32>], vector<16xf32>,
      tpu.vector_store_idx %arg7[%parallel_loop3A_138, %add3A_56], %parallel_loop3A_155 : memref<512x20xf32, #tpu.memory_space<vmem>>[vector<16xi32>, vector<16xi32>], vector<16xf32>,
      %parallel_loop3A_156 = tpu.vector_load_idx %arg6[%parallel_loop3A_134, %add3A_59] : memref<10x20xf32, #tpu.memory_space<vmem>>[vector<16xi32>, vector<16xi32>], vector<16xf32>,
      tpu.vector_store_idx %arg7[%parallel_loop3A_138, %add3A_59], %parallel_loop3A_156 : memref<512x20xf32, #tpu.memory_space<vmem>>[vector<16xi32>, vector<16xi32>], vector<16xf32>,
      %parallel_loop3A_157 = tpu.vector_load_idx %arg6[%parallel_loop3A_134, %add3A_62] : memref<10x20xf32, #tpu.memory_space<vmem>>[vector<16xi32>, vector<16xi32>], vector<16xf32>,
      tpu.vector_store_idx %arg7[%parallel_loop3A_138, %add3A_62], %parallel_loop3A_157 : memref<512x20xf32, #tpu.memory_space<vmem>>[vector<16xi32>, vector<16xi32>], vector<16xf32>,
      %parallel_loop3A_158 = tpu.vector_load_idx %arg6[%parallel_loop3A_134, %add3A_65] : memref<10x20xf32, #tpu.memory_space<vmem>>[vector<16xi32>, vector<16xi32>], vector<16xf32>,
      tpu.vector_store_idx %arg7[%parallel_loop3A_138, %add3A_65], %parallel_loop3A_158 : memref<512x20xf32, #tpu.memory_space<vmem>>[vector<16xi32>, vector<16xi32>], vector<16xf32>,
    } {sc.loop_unroll_factor = 2 : i64, sc.parallel_access}
    %dma_wait3A = arith.constant 0 : i32
    %dma_wait3A_80 = arith.constant 0 : i32
    %dma_wait3A_81 = tpu.memref_slice %arg7[%dma_wait3A, %dma_wait3A_80] : memref<512x20xf32, #tpu.memory_space<vmem>> -> memref<256x20xf32, #tpu.memory_space<vmem>>
    %dma_wait3A_82 = arith.constant 0 : i32
    %dma_wait3A_83 = tpu.memref_slice %arg4[%mul3A_2, %dma_wait3A_82] : memref<16384x20xf32, #tpu.memory_space<hbm>> -> memref<256x20xf32, #tpu.memory_space<hbm>>
    %dma_wait3A_84 = arith.constant 0 : i32
    %dma_wait3A_85 = tpu.memref_slice %arg4[%mul3A_2, %dma_wait3A_84] : memref<16384x20xf32, #tpu.memory_space<hbm>> -> memref<256x20xf32, #tpu.memory_space<hbm>>
    %dma_wait3A_86 = arith.constant 0 : i32
    %dma_wait3A_87 = arith.constant 0 : i32
    %dma_wait3A_88 = tpu.memref_slice %arg7[%dma_wait3A_86, %dma_wait3A_87] : memref<512x20xf32, #tpu.memory_space<vmem>> -> memref<256x20xf32, #tpu.memory_space<vmem>>
    tpu.wait_dma2 semaphore(%arg8 : memref<!tpu.dma_semaphore, #tpu.memory_space<semaphore_mem>>) src(%dma_wait3A_88 : memref<256x20xf32, #tpu.memory_space<vmem>>) dst(%dma_wait3A_85 : memref<256x20xf32, #tpu.memory_space<hbm>>)
    %add3A_89 = arith.constant 256 : i32
    %add3A_90 = arith.addi %mul3A_2, %add3A_89 : i32
    "tpu.region"() ({
      %run_scoped3A = tpu.sem_alloc : memref<!tpu.dma_semaphore, #tpu.memory_space<semaphore_mem>>
      %dma_start3A_91 = arith.constant 256 : i32
      %dma_start3A_92 = arith.constant 0 : i32
      %dma_start3A_93 = tpu.memref_slice %arg7[%dma_start3A_91, %dma_start3A_92] : memref<512x20xf32, #tpu.memory_space<vmem>> -> memref<256x20xf32, #tpu.memory_space<vmem>>
      %dma_start3A_94 = arith.constant 0 : i32
      %dma_start3A_95 = tpu.memref_slice %arg4[%add3A_90, %dma_start3A_94] : memref<16384x20xf32, #tpu.memory_space<hbm>> -> memref<256x20xf32, #tpu.memory_space<hbm>>
      %dma_start3A_96 = arith.constant 0 : i32
      %dma_start3A_97 = tpu.memref_slice %arg4[%add3A_90, %dma_start3A_96] : memref<16384x20xf32, #tpu.memory_space<hbm>> -> memref<256x20xf32, #tpu.memory_space<hbm>>
      %dma_start3A_98 = arith.constant 256 : i32
      %dma_start3A_99 = arith.constant 0 : i32
      %dma_start3A_100 = tpu.memref_slice %arg7[%dma_start3A_98, %dma_start3A_99] : memref<512x20xf32, #tpu.memory_space<vmem>> -> memref<256x20xf32, #tpu.memory_space<vmem>>
      tpu.enqueue_dma source(%dma_start3A_100 : memref<256x20xf32, #tpu.memory_space<vmem>>) target(%dma_start3A_97 : memref<256x20xf32, #tpu.memory_space<hbm>>) target_semaphore(%run_scoped3A : memref<!tpu.dma_semaphore, #tpu.memory_space<semaphore_mem>>)
      %dma_wait3A_101 = arith.constant 256 : i32
      %dma_wait3A_102 = arith.constant 0 : i32
      %dma_wait3A_103 = tpu.memref_slice %arg7[%dma_wait3A_101, %dma_wait3A_102] : memref<512x20xf32, #tpu.memory_space<vmem>> -> memref<256x20xf32, #tpu.memory_space<vmem>>
      %dma_wait3A_104 = arith.constant 0 : i32
      %dma_wait3A_105 = tpu.memref_slice %arg4[%add3A_90, %dma_wait3A_104] : memref<16384x20xf32, #tpu.memory_space<hbm>> -> memref<256x20xf32, #tpu.memory_space<hbm>>
      %dma_wait3A_106 = arith.constant 0 : i32
      %dma_wait3A_107 = tpu.memref_slice %arg4[%add3A_90, %dma_wait3A_106] : memref<16384x20xf32, #tpu.memory_space<hbm>> -> memref<256x20xf32, #tpu.memory_space<hbm>>
      %dma_wait3A_108 = arith.constant 256 : i32
      %dma_wait3A_109 = arith.constant 0 : i32
      %dma_wait3A_110 = tpu.memref_slice %arg7[%dma_wait3A_108, %dma_wait3A_109] : memref<512x20xf32, #tpu.memory_space<vmem>> -> memref<256x20xf32, #tpu.memory_space<vmem>>
      tpu.wait_dma2 semaphore(%run_scoped3A : memref<!tpu.dma_semaphore, #tpu.memory_space<semaphore_mem>>) src(%dma_wait3A_110 : memref<256x20xf32, #tpu.memory_space<vmem>>) dst(%dma_wait3A_107 : memref<256x20xf32, #tpu.memory_space<hbm>>)
      tpu.yield
    }) : () -> ()
    return
  }
}

</mosaic_0001>

<sc_bundles>
// kernel: kernel.3.cloned.1.call-start
scs
__scs_entry_jumppad:
0x0: {  	(pc) =	sbr.rel $0x88, $3  }
0x1: {  	(tag) =	ssettag $0x0;
	lr =	simm.s32 $0x1  }
0x2: {  	[smem:$0x3F9F] =	sst lr;
	_ =	strace $0xD0000000  }
0x3: {  	_ = 	snop  }
0x4: {  	_ = 	snop  }
0x5: {  	_ = 	snop  }
0x6: {  	_ = 	snop  }
0x7: {  	_ = 	snop  }
__scs_overlays_trampoline_lowered:
0x8: {  	[smem:$0x3FAE] =	sst s0  }
0x9: {  	[smem:$0x3FAF] =	sst s1  }
0xa: {  	[smem:$0x3FB0] =	sst s2  }
0xb: {  	[smem:$0x3FB1] =	sst s3  }
0xc: {  	[smem:$0x3FB2] =	sst s4  }
0xd: {  	[smem:$0x3FB3] =	sst s5  }
0xe: {  	[smem:$0x3FB4] =	sst s6  }
0xf: {  	[smem:$0x3FB5] =	sst s7  }
0x10: {  	[smem:$0x3FB6] =	sst s8  }
0x11: {  	[smem:$0x3FB7] =	sst s9;
	s0 =	simm.s32 @!p0 $0x0  }
0x12: {  	s1 =	sld [smem:$0x3F9D];
	s0 =	simm.s32 @p0 $0x1  }
0x13: {  	[smem:$0x3FB8] =	sst s0;
	s0 =	simm.s32 @!p1 $0x0  }
0x14: {  	s2 =	sld [smem:$0x3F9C];
	s0 =	simm.s32 @p1 $0x1  }
0x15: {  	[smem:$0x3FB9] =	sst s0;
	s0 =	simm.s32 @!p2 $0x0  }
0x16: {  	s3 =	sld [smem:$0x3FDB];
	s0 =	simm.s32 @p2 $0x1  }
0x17: {  	s4 =	simm.s32 $0x1BF5;
	[smem:$0x3FBB] =	sst s0  }
0x18: {  	s0 =	sld [smem:$0x3F9E];
	_ =	swait.ge [sflag:s4], $0x0  }
0x19: {  	s7 =	sld [smem:$0x3F9F]  }
0x1a: {  	s8 =	sadd.s32 $0xFFFFE003, lr  }
0x1b: {  	s9 =	sadd.s32 $0xFFFFFEF7, lr;
	s5 =	simm.s32 $0xFFFFFFFF;
	p2 =	slt.u32 s8, $0xFFFFF086  }
0x1c: {  	p1 =	slt.u32 s9, $0xF7A;
	s5 =	simm.s32 @!p2 $0x0  }
0x1d: {  	s5 =	simm.s32 @p1 $0x1;
	p0 =	seq.s32 s7, s2  }
0x1e: {  	s7 =	smul.u32 @!p0 $0xF7A, s2;
	p2 =	seq.s32 @!p0 s5, $0x0  }
0x1f: {  	s9 =	smul.u32 $0xF7A, s1;
	s8 =	simm.s32 @!p0 $0x1BF5;
	p2 =	por !p2, p0  }
0x20: {  	[sflag:s8] =	ssyncset.s32 @!p0 $0xFFFFF086;
	s6 =	sadd.s32 @!p0 s3, s7;
	s7 =	simm.s32 @!p0 $0x108  }
0x21: {  	s3 =	sadd.s32 s3, s9;
	s6 =	sadd.s32 @!p0 $0x88, s6;
	s7 =	simm.s32 @p2 $0x1082  }
0x22: {  	[simem:s7], [sflag:s8] =	dma.local @!p0 [hbm:s6], $0xF7A  }
0x23: {  	s9 =	sor.u32 $0xD0000000, s2;
	s6 =	simm.s32 $0x108;
	_ =	swait.ge @!p0 [sflag:s8], $0x0  }
0x24: {  	s3 =	sadd.s32 $0x88, s3;
	s6 =	simm.s32 @!p1 $0x1082;
	[sflag:s4] =	ssyncset.s32 $0xFFFFF086  }
0x25: {  	[simem:s6], [sflag:s4] =	dma.local [hbm:s3], $0xF7A  }
0x26: {  	[smem:$0x3F9F] =	sst s1;
	(tag) =	ssettag s2;
	_ =	strace s9  }
0x27: {  	s1 =	sld [smem:$0x3FAF]  }
0x28: {  	s2 =	sld [smem:$0x3FB0]  }
0x29: {  	s4 =	sld [smem:$0x3FB2]  }
0x2a: {  	p0 =	seq.s32 s5, $0x0;
	s5 =	sld [smem:$0x3FB3]  }
0x2b: {  	s6 =	sld [smem:$0x3FB4]  }
0x2c: {  	s7 =	sld [smem:$0x3FB5]  }
0x2d: {  	s3 =	simm.s32 $0x108;
	s8 =	sld [smem:$0x3FB6]  }
0x2e: {  	s3 =	simm.s32 @!p0 $0x1082;
	s9 =	sld [smem:$0x3FB7]  }
0x2f: {  	lr =	sadd.s32 s0, s3;
	s0 =	sld [smem:$0x3FAE]  }
0x30: {  	s3 =	sld [smem:$0x3FB1]  }
0x31: {  	[smem:$0x3FBA] =	sst s10  }
0x32: {  	s10 =	sld [smem:$0x3FB8];
	_ =	sdelay $0x3  }
0x33: {  	p0 =	seq.s32 s10, $0x1;
	s10 =	sld [smem:$0x3FBA];
	_ =	sdelay $0x3  }
0x34: {  	[smem:$0x3FBA] =	sst s10  }
0x35: {  	s10 =	sld [smem:$0x3FB9];
	_ =	sdelay $0x3  }
0x36: {  	p1 =	seq.s32 s10, $0x1;
	s10 =	sld [smem:$0x3FBA];
	_ =	sdelay $0x3  }
0x37: {  	[smem:$0x3FBA] =	sst s10  }
0x38: {  	s10 =	sld [smem:$0x3FBB]  }
0x39: {  	_ = 	snop;
	(pc) =	sbr.ind lr, $3  }
0x3a: {  	_ = 	snop  }
0x3b: {  	_ = 	snop  }
0x3c: {  	p2 =	seq.s32 s10, $0x1;
	s10 =	sld [smem:$0x3FBA]  }
0x3d: {  	_ =	shalt  }
0x3e: {  	_ =	shalt  }
0x3f: {  	_ =	shalt  }
0x40: {  	_ =	shalt  }
0x41: {  	_ =	shalt  }
0x42: {  	_ =	shalt  }
0x43: {  	_ =	shalt  }
0x44: {  	_ =	shalt  }
0x45: {  	_ =	shalt  }
0x46: {  	_ =	shalt  }
0x47: {  	_ =	shalt  }
0x48: {  	_ =	shalt  }
0x49: {  	_ =	shalt  }
0x4a: {  	_ =	shalt  }
0x4b: {  	_ =	shalt  }
0x4c: {  	_ =	shalt  }
0x4d: {  	_ =	shalt  }
0x4e: {  	_ =	shalt  }
0x4f: {  	_ =	shalt  }
0x50: {  	_ =	shalt  }
0x51: {  	_ =	shalt  }
0x52: {  	_ =	shalt  }
0x53: {  	_ =	shalt  }
0x54: {  	_ =	shalt  }
0x55: {  	_ =	shalt  }
0x56: {  	_ =	shalt  }
0x57: {  	_ =	shalt  }
0x58: {  	_ =	shalt  }
0x59: {  	_ =	shalt  }
0x5a: {  	_ =	shalt  }
0x5b: {  	_ =	shalt  }
0x5c: {  	_ =	shalt  }
0x5d: {  	_ =	shalt  }
0x5e: {  	_ =	shalt  }
0x5f: {  	_ =	shalt  }
0x60: {  	_ =	shalt  }
0x61: {  	_ =	shalt  }
0x62: {  	_ =	shalt  }
0x63: {  	_ =	shalt  }
0x64: {  	_ =	shalt  }
0x65: {  	_ =	shalt  }
0x66: {  	_ =	shalt  }
0x67: {  	_ =	shalt  }
0x68: {  	_ =	shalt  }
0x69: {  	_ =	shalt  }
0x6a: {  	_ =	shalt  }
0x6b: {  	_ =	shalt  }
0x6c: {  	_ =	shalt  }
0x6d: {  	_ =	shalt  }
0x6e: {  	_ =	shalt  }
0x6f: {  	_ =	shalt  }
0x70: {  	_ =	shalt  }
0x71: {  	_ =	shalt  }
0x72: {  	_ =	shalt  }
0x73: {  	_ =	shalt  }
0x74: {  	_ =	shalt  }
0x75: {  	_ =	shalt  }
0x76: {  	_ =	shalt  }
0x77: {  	_ =	shalt  }
0x78: {  	_ =	shalt  }
0x79: {  	_ =	shalt  }
0x7a: {  	_ =	shalt  }
0x7b: {  	_ =	shalt  }
0x7c: {  	_ =	shalt  }
0x7d: {  	_ =	shalt  }
0x7e: {  	_ =	shalt  }
0x7f: {  	_ =	shalt  }
0x80: {  	_ =	shalt  }
0x81: {  	_ =	shalt  }
0x82: {  	_ =	shalt  }
0x83: {  	_ =	shalt  }
0x84: {  	_ =	shalt  }
0x85: {  	_ =	shalt  }
0x86: {  	_ =	shalt  }
0x87: {  	_ =	shalt  }
.Lfunc_end0:
.L_simem_size_0:
called_computation_lowered:
.L_overlay_start_0:
0x88: {  	s2 =	sld [smem:$0x3FD9]  }
0x89: {  	s3 =	sld [smem:$0x3FFE];
	_ =	sdelay $0x1  }
0x8a: {  	s1 =	srdreg.scid  }
0x8b: {  	s0 =	sand.u32 $0x1, s1  }
0x8c: {  	s17 =	sshll.u32 s0, $0xA;
	s2 =	sadd.s32 s3, s2  }
0x8d: {  	s2 =	sadd.s32 s2, s17  }
0x8e: {  	[smem:$0x3FC6] =	sst s2  }
0x8f: {  	_ = 	snop  }
0x90: {  	s2 =	sld [smem:$0x3FC9]  }
0x91: {  	s18 =	sld [smem:$0x3FC8];
	(tm) =	ssettm $0x1  }
0x92: {  	s4 =	sld [smem:$0x3FFB];
	_ =	sdelay $0x3  }
0x93: {  	_ =	strace s4  }
0x94: {  	s4 =	sld [smem:$0x3FFC];
	_ =	sdelay $0x3  }
0x95: {  	_ =	strace s4  }
0x96: {  	s4 =	sld [smem:$0x3FFD];
	_ =	sdelay $0x3  }
0x97: {  	_ =	strace s4  }
0x98: {  	_ =	strace $0x8FFFFFFF  }
0x99: {  	s19 =	sld [smem:$0x3FDB];
	_ =	sdelay $0x1  }
0x9a: {  	s5 =	simm.s32 $_scs_section_size  }
0x9b: {  	s6 =	simm.s32 $_size__tile_overlayer_lowered;
	s7 =	simm.s32 $_tile_overlayer_lowered  }
0x9c: {  	s22 =	simm.s32 $0x1BFF;
	s21 =	sshll.u32 s7, $0x1;
	s4 =	sadd.s32 s5, s19  }
0x9d: {  	s8 =	simm.s32 $0x0;
	s20 =	sshll.u32 s6, $0x1;
	s6 =	sadd.s32 s21, s4  }
0x9e: {  	[timem:s8], [sflag:s22] =	dma.local [hbm:s6], s20  }
0x9f: {  	_ =	swait.ge [sflag:s22], s20  }
0xa0: {  	s5 =	ssub.s32 $0x0, s20;
	[sflag:s22] =	ssyncset.done $0x0  }
0xa1: {  	[sflag:s22] =	ssyncadd.s32 s5;
	_ =	sdelay $0x1  }
0xa2: {  	s23 =	simm.s32 $0x1B8B  }
0xa3: {  	_ =	swait.ge [sflag:s23], $0x1  }
0xa4: {  	[sflag:s23] =	ssyncset.done $0x0  }
0xa5: {  	s25 =	simm.s32 $0x1B8E;
	s24 =	sld [smem:$0x3FFE];
	[sflag:s23] =	ssyncadd.s32 $0xFFFFFFFF  }
0xa6: {  	s26 =	simm.s32 $execute0_lowered;
	[smem:$0x3FD2] =	sst s25  }
0xa7: {  	s6 =	sshll.u32 s26, $0x1;
	_ =	strace $0x80000046;
	[dreg:$0x1] =	wrdreg $0xFFFFFFFF  }
0xa8: {  	s28 =	simm.s32 $_size_execute0_lowered;
	s4 =	sadd.s32 s4, s6;
	[dreg:$0x0] =	wrdreg $0x0  }
0xa9: {  	s6 =	sshll.u32 s28, $0x1;
	[dreg:$0x2] =	wrdreg s4  }
0xaa: {  	[dreg:$0x3] =	wrdreg s6  }
0xab: {  	[dreg:$0x4] =	wrdreg $0xC0  }
0xac: {  	_ =	task [dreg:s8], $0x5FFFF  }
0xad: {  	[dreg:$0x1] =	wrdreg $0xFFFFFFFF  }
0xae: {  	[dreg:$0x0] =	wrdreg $0x60  }
0xaf: {  	[dreg:$0x2] =	wrdreg s2  }
0xb0: {  	[dreg:$0x3] =	wrdreg s18  }
0xb1: {  	[dreg:$0x4] =	wrdreg s24  }
0xb2: {  	[dreg:$0x5] =	wrdreg $0x9  }
0xb3: {  	_ =	task.clear_ibuf [dreg:s8], $0x6FFFF;
	_ =	strace $0x90000046  }
0xb4: {  	s29 =	simm.s32 $0x9;
	_ =	strace $0x80000048  }
0xb5: {  	_ =	swait.ge [sflag:s29], $0x1  }
0xb6: {  	[sflag:s29] =	ssyncadd.s32 $0xFFFFFFFF  }
0xb7: {  	_ =	strace $0x90000048  }
0xb8: {  	_ =	sfence  }
0xb9: {  	s30 =	sld [smem:$0x0];
	_ =	sdelay $0x2  }
0xba: {  	s31 =	sshll.u32 s1, $0xD;
	s1 =	sshrl.u32 s1, $0x2  }
0xbb: {  	s3 =	sand.u32 $0x4000, s31;
	s1 =	sadd.s32 s1, s30  }
0xbc: {  	s0 =	sor.u32 s3, s0;
	s1 =	sshll.u32 s1, $0x11  }
0xbd: {  	s0 =	sor.u32 s1, s0  }
0xbe: {  	s0 =	sadd.s32 $0x8F2B, s0  }
0xbf: {  	[sflag:s0] =	ssyncadd.remote.s32 $0x1  }
0xc0: {  	_ =	sfence.sel $0xFFFF  }
0xc1: {  	[dreg:$0x0] =	wrdreg $0xFFFFFFFF;
	(pc) =	sbr.abs _section_cstart, $3  }
0xc2: {  	[dreg:$0x1] =	wrdreg $0xFFFFFFFF  }
0xc3: {  	_ =	task.clear_ibuf [dreg:s8], $0x2FFFF;
	_ =	strace $0x9FFFFFFF  }
0xc4: {  	(tm) =	ssettm $0x7FFFFFFF  }
0xc5: {  	_ =	shalt  }
tec
execute0_lowered:
.L_overlay_start_1:
0x0: {  	(tag) =	ssettag $0x1  }
0x1: {  	s4 =	rddreg [dreg:$0x0]  }
0x2: {  	s1 =	rddreg [dreg:$0x1]  }
0x3: {  	s5 =	rddreg [dreg:$0x2]  }
0x4: {  	s0 =	rddreg [dreg:$0x3];
	s6 =	srdreg.scid  }
0x5: {  	s3 =	simm.s32 $0x0;
	s2 =	stileid.u32;
	s10 =	simm.s32 $0xA00  }
0x6: {  	s11 =	simm.s32 $0x1;
	s12 =	simm.s32 $0x8A00;
	s6 =	sand.u32 $0x1, s6  }
0x7: {  	s13 =	simm.s32 $0x0;
	s7 =	sshll.u32 s2, $0xA;
	s8 =	sshll.u32 s6, $0x9  }
0x8: {  	[smem:$0x7FF] =	sst s3;
	s6 =	ssub.s32 $0x2, s6;
	s7 =	sor.u32 s8, s7  }
0x9: {  	_ =	strace $0x80000047;
	s9 =	sshrl.u32 s6, $0x1;
	s8 =	sshll.u32 s7, $0x4  }
0xa: {  	s7 =	sshrl.u32 s7, $0x3;
	s9 =	ssub.s32 s6, s9;
	s8 =	sadd.s32 s8, s5  }
0xb: {  	v0 =	vlaneseq.u32;
	s4 =	sadd.s32 s4, s7;
	s7 =	smax.u32 s9, $0x1;
	s9 =	simm.s32 $0x200  }
0xc: {  	v1 =	vimm.s32 $0x0;
	v0 =	vmul.u32 $0x80, v0;
	s5 =	sadd.s32 $0x400, s8;
	s6 =	sadd.s32 $0x1400, s8;
	s8 =	simm.s32 $0x2  }
.LBB2_1:
0xd: {  	[tilespmem:s3], [sflag:$0x2] =	stream.linear.gather [hbm4b:s4+s3], $0x200, $0x38;
	[tilespmem:$0x10A00] =	vst v63  }
0xe: {  	_ =	swait.ge [sflag:s8], $0x200  }
0xf: {  	[sflag:s8] =	ssyncset.done $0x0  }
0x10: {  	[sflag:s8] =	ssyncadd.s32 $0xFFFFFE00  }
0x11: {  	[tilespmem:s9], [sflag:$0x2] =	stream.linear.gather [hbm4b:s1+s3], $0x500, $0x38;
	[tilespmem:$0x10A00] =	vst v63  }
0x12: {  	_ =	swait.ge [sflag:s8], $0x500  }
0x13: {  	[sflag:s8] =	ssyncset.done $0x0  }
0x14: {  	s14 =	simm.s32 $0x10;
	[sflag:s8] =	ssyncadd.s32 $0xFFFFFB00  }
0x15: {  	v2 =	vld [tilespmem:s14+$0x0];
	_ =	sdelay $0x4  }
0x16: {  	vm0 =	vlt.s32 v2, $0x5;
	vm1 =	vgt.s32 v2, $0x7  }
0x17: {  	vm2 =	vgt.s32 v2, $0xF;
	v3 =	vsel vm1, $0x1, v1;
	v4 =	vnsel vm0, $0x5, v2  }
0x18: {  	vm7 =	vgt.s32 v2, $0x1F;
	v5 =	vsel vm2, $0x1, v1;
	v3 =	vadd.s32 v3, v4  }
0x19: {  	v6 =	vld [tilespmem:s14+$0xFFFFFFF0];
	vm8 =	vgt.s32 v2, $0x3F;
	v2 =	vsel vm7, $0x1, v1;
	v3 =	vadd.s32 v5, v3  }
0x1a: {  	v4 =	vsel vm8, $0x1, v1;
	v2 =	vadd.s32 v2, v3  }
0x1b: {  	v2 =	vadd.s32 v4, v2  }
0x1c: {  	v5 =	vshll.u32 v2, $0x7;
	_ =	sdelay $0x1  }
0x1d: {  	vm9 =	vlt.s32 v6, $0x5;
	vm10 =	vgt.s32 v6, $0x7;
	vm11 =	vgt.s32 v6, $0x1F  }
0x1e: {  	v3 =	vsel vm10, $0x1, v1;
	v4 =	vmov s14;
	v2 =	vnsel vm9, $0x5, v6  }
0x1f: {  	vm12 =	vgt.s32 v6, $0xF;
	v2 =	vadd.s32 v3, v2;
	v3 =	vshll.u32 v4, $0x7  }
0x20: {  	vm13 =	vgt.s32 v6, $0x3F;
	v4 =	vsel vm12, $0x1, v1;
	v3 =	vor.u32 v0, v3;
	v9 =	vld.idx.msk [tilespmem:v5+s9+$0x0], $0xffff  }
0x21: {  	v7 =	vsel vm11, $0x1, v1;
	v2 =	vadd.s32 v4, v2;
	v4 =	vor.u32 $0x1, v5  }
0x22: {  	v6 =	vsel vm13, $0x1, v1;
	v2 =	vadd.s32 v7, v2  }
0x23: {  	v2 =	vadd.s32 v6, v2  }
0x24: {  	v8 =	vshll.u32 v2, $0x7  }
0x25: {  	[tilespmem:v3+s10+$0x0] =	vst.idx.msk $0xffff, v9  }
0x26: {  	s26 =	simm.s32 $0x0;
	v2 =	vld.idx.msk [tilespmem:v4+s9+$0x0], $0xffff;
	v4 =	vor.u32 $0x1, v3  }
0x27: {  	v7 =	vor.u32 $0x2, v5;
	v6 =	vmov s26  }
0x28: {  	v6 =	vshll.u32 v6, $0x7  }
0x29: {  	v10 =	vld.idx.msk [tilespmem:v8+s9+$0x0], $0xffff;
	v9 =	vor.u32 v0, v6  }
0x2a: {  	s28 =	simm.s32 $0x30;
	v6 =	vor.u32 $0x1, v8  }
0x2b: {  	v12 =	vld [tilespmem:s28+$0xFFFFFFF0];
	[tilespmem:v4+s10+$0x0] =	vst.idx.msk $0xffff, v2  }
0x2c: {  	v4 =	vor.u32 $0x2, v3;
	v2 =	vld.idx.msk [tilespmem:v7+s9+$0x0], $0xffff  }
0x2d: {  	v7 =	vor.u32 $0x3, v5  }
0x2e: {  	[tilespmem:v9+s10+$0x0] =	vst.idx.msk $0xffff, v10;
	v10 =	vld [tilespmem:s28+$0x0]  }
0x2f: {  	v11 =	vor.u32 $0x1, v9;
	v6 =	vld.idx.msk [tilespmem:v6+s9+$0x0], $0xffff  }
0x30: {  	vm11 =	vgt.s32 v12, $0x1F;
	vm10 =	vgt.s32 v12, $0x7;
	v13 =	vor.u32 $0x2, v8  }
0x31: {  	v18 =	vsel vm10, $0x1, v1;
	vm9 =	vlt.s32 v12, $0x5;
	vm13 =	vgt.s32 v12, $0x3F;
	[tilespmem:v4+s10+$0x0] =	vst.idx.msk $0xffff, v2  }
0x32: {  	v16 =	vor.u32 $0x4, v5;
	vm12 =	vgt.s32 v12, $0xF;
	v4 =	vor.u32 $0x3, v3;
	v7 =	vld.idx.msk [tilespmem:v7+s9+$0x0], $0xffff  }
0x33: {  	v15 =	vor.u32 $0x3, v8;
	v14 =	vor.u32 $0x2, v9;
	vm14 =	vgt.s32 v10, $0xF  }
0x34: {  	vm15 =	vgt.s32 v10, $0x1F;
	vm3 =	vlt.s32 v10, $0x5;
	vm4 =	vgt.s32 v10, $0x7;
	[tilespmem:v11+s10+$0x0] =	vst.idx.msk $0xffff, v6  }
0x35: {  	vm8 =	vgt.s32 v10, $0x3F;
	v6 =	vsel vm4, $0x1, v1;
	v10 =	vnsel vm3, $0x5, v10;
	v11 =	vld.idx.msk [tilespmem:v13+s9+$0x0], $0xffff  }
0x36: {  	v17 =	vsel vm15, $0x1, v1;
	v13 =	vsel vm14, $0x1, v1;
	v6 =	vadd.s32 v6, v10  }
0x37: {  	v2 =	vor.u32 $0x4, v3;
	v10 =	vnsel vm9, $0x5, v12;
	[tilespmem:v4+s10+$0x0] =	vst.idx.msk $0xffff, v7;
	v4 =	vadd.s32 v13, v6  }
0x38: {  	v10 =	vadd.s32 v18, v10;
	v7 =	vsel vm8, $0x1, v1;
	v6 =	vld.idx.msk [tilespmem:v16+s9+$0x0], $0xffff;
	v4 =	vadd.s32 v17, v4  }
0x39: {  	v13 =	vor.u32 $0x5, v5;
	v16 =	vsel vm12, $0x1, v1;
	v4 =	vadd.s32 v7, v4  }
0x3a: {  	[tilespmem:v14+s10+$0x0] =	vst.idx.msk $0xffff, v11;
	v10 =	vadd.s32 v16, v10;
	v7 =	vshll.u32 v4, $0x7;
	v4 =	vsel vm11, $0x1, v1  }
0x3b: {  	v12 =	vor.u32 $0x3, v9;
	v14 =	vsel vm13, $0x1, v1;
	v11 =	vld.idx.msk [tilespmem:v15+s9+$0x0], $0xffff;
	v4 =	vadd.s32 v4, v10  }
0x3c: {  	v10 =	vor.u32 $0x4, v8;
	v4 =	vadd.s32 v14, v4  }
0x3d: {  	[tilespmem:v2+s10+$0x0] =	vst.idx.msk $0xffff, v6;
	v2 =	vmov s28;
	v6 =	vshll.u32 v4, $0x7  }
0x3e: {  	v14 =	vor.u32 $0x5, v3;
	v13 =	vld.idx.msk [tilespmem:v13+s9+$0x0], $0xffff;
	v2 =	vshll.u32 v2, $0x7  }
0x3f: {  	s29 =	simm.s32 $0x20;
	s30 =	simm.s32 $0x50;
	v16 =	vor.u32 $0x6, v5;
	v15 =	vld.idx.msk [tilespmem:v7+s9+$0x0], $0xffff;
	v2 =	vor.u32 v0, v2  }
0x40: {  	v24 =	vld [tilespmem:s30+$0x0];
	v17 =	vor.u32 $0x1, v7;
	[tilespmem:v12+s10+$0x0] =	vst.idx.msk $0xffff, v11;
	v4 =	vmov s29  }
0x41: {  	v11 =	vor.u32 $0x4, v9;
	v4 =	vshll.u32 v4, $0x7;
	v10 =	vld.idx.msk [tilespmem:v10+s9+$0x0], $0xffff  }
0x42: {  	v12 =	vor.u32 $0x5, v8;
	v4 =	vor.u32 v0, v4;
	v18 =	vld.idx.msk [tilespmem:v6+s9+$0x0], $0xffff  }
0x43: {  	v26 =	vld [tilespmem:s30+$0xFFFFFFF0];
	[tilespmem:v14+s10+$0x0] =	vst.idx.msk $0xffff, v13;
	v13 =	vor.u32 $0x1, v6  }
0x44: {  	v14 =	vld.idx.msk [tilespmem:v16+s9+$0x0], $0xffff;
	v16 =	vor.u32 $0x6, v3;
	[tilespmem:v2+s10+$0x0] =	vst.idx.msk $0xffff, v15  }
0x45: {  	v19 =	vor.u32 $0x1, v2;
	v15 =	vor.u32 $0x7, v5;
	v17 =	vld.idx.msk [tilespmem:v17+s9+$0x0], $0xffff  }
0x46: {  	[tilespmem:v11+s10+$0x0] =	vst.idx.msk $0xffff, v10  }
0x47: {  	v20 =	vor.u32 $0x2, v7;
	v11 =	vor.u32 $0x5, v9;
	v10 =	vld.idx.msk [tilespmem:v12+s9+$0x0], $0xffff;
	[tilespmem:v4+s10+$0x0] =	vst.idx.msk $0xffff, v18  }
0x48: {  	v12 =	vor.u32 $0x6, v8;
	v18 =	vor.u32 $0x1, v4;
	v13 =	vld.idx.msk [tilespmem:v13+s9+$0x0], $0xffff  }
0x49: {  	[tilespmem:v16+s10+$0x0] =	vst.idx.msk $0xffff, v14;
	v14 =	vor.u32 $0x2, v6  }
0x4a: {  	vm5 =	vgt.s32 v26, $0x7;
	vm1 =	vgt.s32 v24, $0xF;
	v15 =	vld.idx.msk [tilespmem:v15+s9+$0x0], $0xffff;
	[tilespmem:v19+s10+$0x0] =	vst.idx.msk $0xffff, v17;
	v19 =	vor.u32 $0x7, v3  }
0x4b: {  	vm10 =	vgt.s32 v24, $0x7;
	v22 =	vor.u32 $0x8, v5;
	v27 =	vor.u32 $0xA, v5  }
0x4c: {  	v29 =	vor.u32 $0x9, v5;
	v30 =	vor.u32 $0x9, v3;
	v20 =	vld.idx.msk [tilespmem:v20+s9+$0x0], $0xffff;
	[tilespmem:v11+s10+$0x0] =	vst.idx.msk $0xffff, v10;
	v10 =	vor.u32 $0x2, v2  }
0x4d: {  	v25 =	vor.u32 $0x7, v9;
	v16 =	vor.u32 $0x6, v9;
	v11 =	vor.u32 $0x3, v7;
	v12 =	vld.idx.msk [tilespmem:v12+s9+$0x0], $0xffff;
	[tilespmem:v18+s10+$0x0] =	vst.idx.msk $0xffff, v13  }
0x4e: {  	vm15 =	vgt.s32 v24, $0x3F;
	v21 =	vor.u32 $0x2, v4;
	v17 =	vor.u32 $0x7, v8;
	v14 =	vld.idx.msk [tilespmem:v14+s9+$0x0], $0xffff  }
0x4f: {  	vm14 =	vgt.s32 v24, $0x1F;
	vm9 =	vlt.s32 v24, $0x5;
	v23 =	vor.u32 $0x3, v6;
	[tilespmem:v19+s10+$0x0] =	vst.idx.msk $0xffff, v15  }
0x50: {  	vm13 =	vgt.s32 v26, $0x3F;
	vm8 =	vlt.s32 v26, $0x5;
	v18 =	vor.u32 $0x8, v3;
	v22 =	vld.idx.msk [tilespmem:v22+s9+$0x0], $0xffff  }
0x51: {  	vm12 =	vgt.s32 v26, $0x1F;
	vm11 =	vgt.s32 v26, $0xF;
	v33 =	vor.u32 $0x4, v7;
	[tilespmem:v10+s10+$0x0] =	vst.idx.msk $0xffff, v20  }
0x52: {  	v31 =	vor.u32 $0x4, v6;
	v28 =	vor.u32 $0x4, v2;
	v19 =	vor.u32 $0x3, v2;
	[tilespmem:v16+s10+$0x0] =	vst.idx.msk $0xffff, v12;
	v10 =	vld.idx.msk [tilespmem:v11+s9+$0x0], $0xffff  }
0x53: {  	v13 =	vor.u32 $0x8, v8;
	v11 =	vnsel vm8, $0x5, v26;
	v12 =	vld.idx.msk [tilespmem:v17+s9+$0x0], $0xffff;
	[tilespmem:v21+s10+$0x0] =	vst.idx.msk $0xffff, v14;
	v14 =	vsel vm5, $0x1, v1  }
0x54: {  	v15 =	vor.u32 $0x3, v4;
	v17 =	vsel vm11, $0x1, v1;
	v16 =	vld.idx.msk [tilespmem:v23+s9+$0x0], $0xffff;
	v11 =	vadd.s32 v14, v11  }
0x55: {  	v32 =	vor.u32 $0x4, v4;
	v14 =	vsel vm12, $0x1, v1;
	[tilespmem:v18+s10+$0x0] =	vst.idx.msk $0xffff, v22;
	v11 =	vadd.s32 v17, v11  }
0x56: {  	v20 =	vsel vm13, $0x1, v1;
	v21 =	vnsel vm9, $0x5, v24;
	v18 =	vld.idx.msk [tilespmem:v29+s9+$0x0], $0xffff;
	v11 =	vadd.s32 v14, v11  }
0x57: {  	v17 =	vsel vm14, $0x1, v1;
	v14 =	vsel vm10, $0x1, v1;
	[tilespmem:v19+s10+$0x0] =	vst.idx.msk $0xffff, v10;
	v10 =	vadd.s32 v20, v11  }
0x58: {  	v19 =	vsel vm1, $0x1, v1;
	[tilespmem:v25+s10+$0x0] =	vst.idx.msk $0xffff, v12;
	v12 =	vadd.s32 v14, v21;
	v14 =	vld.idx.msk [tilespmem:v33+s9+$0x0], $0xffff;
	v11 =	vshll.u32 v10, $0x7  }
0x59: {  	v10 =	vadd.s32 v19, v12;
	v12 =	vld.idx.msk [tilespmem:v13+s9+$0x0], $0xffff;
	[tilespmem:v15+s10+$0x0] =	vst.idx.msk $0xffff, v16;
	v15 =	vor.u32 $0x5, v7;
	v16 =	vor.u32 $0x8, v9  }
0x5a: {  	s15 =	simm.s32 $0x40;
	v13 =	vsel vm15, $0x1, v1;
	v10 =	vadd.s32 v17, v10;
	v17 =	vor.u32 $0x9, v8;
	v19 =	vld.idx.msk [tilespmem:v31+s9+$0x0], $0xffff  }
0x5b: {  	v20 =	vmov s15;
	v21 =	vor.u32 $0x5, v6;
	v10 =	vadd.s32 v13, v10;
	[tilespmem:v30+s10+$0x0] =	vst.idx.msk $0xffff, v18  }
0x5c: {  	v22 =	vor.u32 $0xA, v3;
	v18 =	vshll.u32 v20, $0x7;
	v13 =	vshll.u32 v10, $0x7;
	v20 =	vld.idx.msk [tilespmem:v27+s9+$0x0], $0xffff  }
0x5d: {  	[tilespmem:v28+s10+$0x0] =	vst.idx.msk $0xffff, v14;
	v14 =	vor.u32 $0xB, v5;
	v10 =	vor.u32 v0, v18;
	v23 =	vld.idx.msk [tilespmem:v11+s9+$0x0], $0xffff  }
0x5e: {  	v18 =	vor.u32 $0x5, v2;
	v15 =	vld.idx.msk [tilespmem:v15+s9+$0x0], $0xffff;
	[tilespmem:v16+s10+$0x0] =	vst.idx.msk $0xffff, v12  }
0x5f: {  	v24 =	vor.u32 $0x9, v9;
	v12 =	vmov s30;
	[tilespmem:v32+s10+$0x0] =	vst.idx.msk $0xffff, v19;
	v17 =	vld.idx.msk [tilespmem:v17+s9+$0x0], $0xffff;
	v19 =	vor.u32 $0x6, v7  }
0x60: {  	v25 =	vor.u32 $0x5, v4;
	v16 =	vor.u32 $0x1, v11;
	v12 =	vshll.u32 v12, $0x7;
	v21 =	vld.idx.msk [tilespmem:v21+s9+$0x0], $0xffff  }
0x61: {  	v26 =	vor.u32 $0xA, v8;
	v28 =	vld.idx.msk [tilespmem:v13+s9+$0x0], $0xffff;
	v12 =	vor.u32 v0, v12;
	[tilespmem:v22+s10+$0x0] =	vst.idx.msk $0xffff, v20  }
0x62: {  	s14 =	simm.s32 $0x70;
	v20 =	vor.u32 $0xB, v3;
	v22 =	vor.u32 $0x1, v13;
	v14 =	vld.idx.msk [tilespmem:v14+s9+$0x0], $0xffff;
	[tilespmem:v10+s10+$0x0] =	vst.idx.msk $0xffff, v23  }
0x63: {  	v38 =	vld [tilespmem:s14+$0x0];
	v41 =	vor.u32 $0xE, v5;
	v27 =	vor.u32 $0x6, v6;
	[tilespmem:v18+s10+$0x0] =	vst.idx.msk $0xffff, v15  }
0x64: {  	v50 =	vor.u32 $0xE, v8;
	v23 =	vor.u32 $0xC, v5;
	v18 =	vld.idx.msk [tilespmem:v19+s9+$0x0], $0xffff;
	[tilespmem:v24+s10+$0x0] =	vst.idx.msk $0xffff, v17;
	v19 =	vor.u32 $0x6, v2  }
0x65: {  	v36 =	vor.u32 $0xD, v9;
	v29 =	vor.u32 $0x7, v7;
	v15 =	vld.idx.msk [tilespmem:v16+s9+$0x0], $0xffff;
	v16 =	vor.u32 $0x1, v10;
	[tilespmem:v25+s10+$0x0] =	vst.idx.msk $0xffff, v21  }
0x66: {  	v40 =	vor.u32 $0xC, v9;
	v17 =	vor.u32 $0x2, v11;
	v21 =	vld.idx.msk [tilespmem:v26+s9+$0x0], $0xffff;
	v25 =	vor.u32 $0xA, v9;
	[tilespmem:v12+s10+$0x0] =	vst.idx.msk $0xffff, v28  }
0x67: {  	v51 =	vor.u32 $0x8, v7;
	v28 =	vor.u32 $0xB, v8;
	[tilespmem:v20+s10+$0x0] =	vst.idx.msk $0xffff, v14;
	v14 =	vld.idx.msk [tilespmem:v22+s9+$0x0], $0xffff;
	v22 =	vor.u32 $0x1, v12  }
0x68: {  	v43 =	vor.u32 $0xA, v7;
	v31 =	vor.u32 $0x2, v13;
	v26 =	vld.idx.msk [tilespmem:v27+s9+$0x0], $0xffff;
	v27 =	vor.u32 $0x6, v4  }
0x69: {  	v42 =	vor.u32 $0x8, v6;
	v39 =	vor.u32 $0x7, v4;
	v24 =	vor.u32 $0xC, v3;
	v23 =	vld.idx.msk [tilespmem:v23+s9+$0x0], $0xffff;
	[tilespmem:v19+s10+$0x0] =	vst.idx.msk $0xffff, v18  }
0x6a: {  	vm8 =	vgt.s32 v38, $0x3F;
	v20 =	vor.u32 $0xD, v5;
	[tilespmem:v16+s10+$0x0] =	vst.idx.msk $0xffff, v15;
	v16 =	vor.u32 $0x7, v2;
	v29 =	vld.idx.msk [tilespmem:v29+s9+$0x0], $0xffff  }
0x6b: {  	vm9 =	vlt.s32 v38, $0x5;
	vm14 =	vgt.s32 v38, $0xF;
	v15 =	vor.u32 $0x2, v10;
	v17 =	vld.idx.msk [tilespmem:v17+s9+$0x0], $0xffff;
	[tilespmem:v25+s10+$0x0] =	vst.idx.msk $0xffff, v21  }
0x6c: {  	vm10 =	vgt.s32 v38, $0x7;
	v34 =	vor.u32 $0x3, v11;
	v21 =	vor.u32 $0xB, v9;
	v28 =	vld.idx.msk [tilespmem:v28+s9+$0x0], $0xffff;
	[tilespmem:v22+s10+$0x0] =	vst.idx.msk $0xffff, v14  }
0x6d: {  	vm15 =	vgt.s32 v38, $0x1F;
	v35 =	vor.u32 $0x2, v12;
	[tilespmem:v27+s10+$0x0] =	vst.idx.msk $0xffff, v26;
	v14 =	vor.u32 $0xC, v8;
	v31 =	vld.idx.msk [tilespmem:v31+s9+$0x0], $0xffff  }
0x6e: {  	v52 =	vor.u32 $0x5, v11;
	v46 =	vor.u32 $0x4, v11;
	v37 =	vor.u32 $0x3, v13;
	[tilespmem:v24+s10+$0x0] =	vst.idx.msk $0xffff, v23;
	v23 =	vld [tilespmem:s14+$0xFFFFFFF0]  }
0x6f: {  	v30 =	vor.u32 $0x7, v6;
	v53 =	vor.u32 $0x4, v13;
	v18 =	vor.u32 $0xD, v3;
	v20 =	vld.idx.msk [tilespmem:v20+s9+$0x0], $0xffff;
	[tilespmem:v16+s10+$0x0] =	vst.idx.msk $0xffff, v29  }
0x70: {  	v45 =	vor.u32 $0x3, v10;
	v44 =	vor.u32 $0x4, v12;
	v24 =	vor.u32 $0x8, v2;
	[tilespmem:v15+s10+$0x0] =	vst.idx.msk $0xffff, v17;
	v15 =	vld.idx.msk [tilespmem:v51+s9+$0x0], $0xffff  }
0x71: {  	v19 =	vor.u32 $0xE, v3;
	v25 =	vor.u32 $0xF, v5;
	v16 =	vor.u32 $0x9, v7;
	[tilespmem:v21+s10+$0x0] =	vst.idx.msk $0xffff, v28;
	v21 =	vld.idx.msk [tilespmem:v34+s9+$0x0], $0xffff  }
0x72: {  	v27 =	vsel vm15, $0x1, v1;
	v22 =	vor.u32 $0xD, v8;
	v17 =	vor.u32 $0x3, v12;
	v14 =	vld.idx.msk [tilespmem:v14+s9+$0x0], $0xffff;
	[tilespmem:v35+s10+$0x0] =	vst.idx.msk $0xffff, v31  }
0x73: {  	v29 =	vor.u32 $0x9, v2;
	v28 =	vor.u32 $0x4, v10;
	vm11 =	vlt.s32 v23, $0x5;
	v26 =	vld.idx.msk [tilespmem:v37+s9+$0x0], $0xffff  }
0x74: {  	v30 =	vld.idx.msk [tilespmem:v30+s9+$0x0], $0xffff;
	vm12 =	vgt.s32 v23, $0x7;
	vm13 =	vgt.s32 v23, $0x1F;
	[tilespmem:v18+s10+$0x0] =	vst.idx.msk $0xffff, v20;
	v18 =	vsel vm14, $0x1, v1  }
0x75: {  	v20 =	vnsel vm11, $0x5, v23;
	v54 =	vsel vm12, $0x1, v1;
	vm14 =	vgt.s32 v23, $0xF;
	v31 =	vld.idx.msk [tilespmem:v41+s9+$0x0], $0xffff;
	[tilespmem:v24+s10+$0x0] =	vst.idx.msk $0xffff, v15  }
0x76: {  	vm15 =	vgt.s32 v23, $0x3F;
	v15 =	vadd.s32 v54, v20;
	[tilespmem:v45+s10+$0x0] =	vst.idx.msk $0xffff, v21;
	v21 =	vld.idx.msk [tilespmem:v16+s9+$0x0], $0xffff;
	v16 =	vsel vm14, $0x1, v1  }
0x77: {  	v20 =	vsel vm10, $0x1, v1;
	v24 =	vsel vm13, $0x1, v1;
	v23 =	vld.idx.msk [tilespmem:v46+s9+$0x0], $0xffff;
	[tilespmem:v40+s10+$0x0] =	vst.idx.msk $0xffff, v14;
	v14 =	vadd.s32 v16, v15  }
0x78: {  	v15 =	vsel vm15, $0x1, v1;
	v16 =	vnsel vm9, $0x5, v38;
	v22 =	vld.idx.msk [tilespmem:v22+s9+$0x0], $0xffff;
	[tilespmem:v17+s10+$0x0] =	vst.idx.msk $0xffff, v26;
	v14 =	vadd.s32 v24, v14  }
0x79: {  	[tilespmem:v39+s10+$0x0] =	vst.idx.msk $0xffff, v30;
	v16 =	vadd.s32 v20, v16;
	v20 =	vld.idx.msk [tilespmem:v53+s9+$0x0], $0xffff;
	v14 =	vadd.s32 v15, v14  }
0x7a: {  	v17 =	vsel vm8, $0x1, v1;
	v15 =	vadd.s32 v18, v16;
	[tilespmem:v19+s10+$0x0] =	vst.idx.msk $0xffff, v31;
	v16 =	vshll.u32 v14, $0x7;
	v14 =	vld.idx.msk [tilespmem:v42+s9+$0x0], $0xffff  }
0x7b: {  	v18 =	vor.u32 $0x5, v13;
	v19 =	vor.u32 $0x8, v4;
	v15 =	vadd.s32 v27, v15;
	[tilespmem:v29+s10+$0x0] =	vst.idx.msk $0xffff, v21;
	v21 =	vld.idx.msk [tilespmem:v25+s9+$0x0], $0xffff  }
0x7c: {  	v15 =	vadd.s32 v17, v15;
	[tilespmem:v28+s10+$0x0] =	vst.idx.msk $0xffff, v23;
	v23 =	vor.u32 $0x9, v6;
	v24 =	vld.idx.msk [tilespmem:v43+s9+$0x0], $0xffff  }
0x7d: {  	v25 =	vor.u32 $0xA, v2;
	v17 =	vshll.u32 v15, $0x7;
	v15 =	vld.idx.msk [tilespmem:v52+s9+$0x0], $0xffff;
	[tilespmem:v36+s10+$0x0] =	vst.idx.msk $0xffff, v22  }
0x7e: {  	v26 =	vor.u32 $0xB, v7;
	v22 =	vor.u32 $0x5, v10;
	v27 =	vld.idx.msk [tilespmem:v50+s9+$0x0], $0xffff  }
0x7f: {  	s31 =	simm.s32 $0x60;
	v30 =	vor.u32 $0x6, v11;
	v31 =	vor.u32 $0xE, v9;
	[tilespmem:v44+s10+$0x0] =	vst.idx.msk $0xffff, v20;
	v28 =	vld.idx.msk [tilespmem:v16+s9+$0x0], $0xffff  }
0x80: {  	v55 =	vor.u32 $0xF, v3;
	v20 =	vmov s31;
	v56 =	vld.idx.msk [tilespmem:v18+s9+$0x0], $0xffff;
	[tilespmem:v19+s10+$0x0] =	vst.idx.msk $0xffff, v14;
	v18 =	vor.u32 $0xF, v8  }
0x81: {  	v14 =	vshll.u32 v20, $0x7;
	v19 =	vor.u32 $0x5, v12;
	v57 =	vld.idx.msk [tilespmem:v23+s9+$0x0], $0xffff;
	v23 =	vor.u32 $0x10, v5  }
0x82: {  	v58 =	vor.u32 $0x6, v13;
	v14 =	vor.u32 v0, v14;
	v29 =	vld.idx.msk [tilespmem:v17+s9+$0x0], $0xffff;
	[tilespmem:v25+s10+$0x0] =	vst.idx.msk $0xffff, v24  }
0x83: {  	v59 =	vor.u32 $0x9, v4;
	v24 =	vor.u32 $0x1, v16;
	[tilespmem:v22+s10+$0x0] =	vst.idx.msk $0xffff, v15;
	v26 =	vld.idx.msk [tilespmem:v26+s9+$0x0], $0xffff  }
0x84: {  	v60 =	vor.u32 $0xA, v6;
	v61 =	vor.u32 $0xB, v2;
	v15 =	vmov s14;
	v30 =	vld.idx.msk [tilespmem:v30+s9+$0x0], $0xffff;
	[tilespmem:v31+s10+$0x0] =	vst.idx.msk $0xffff, v27  }
0x85: {  	v63 =	vor.u32 $0xC, v7;
	v62 =	vor.u32 $0x6, v10;
	[tilespmem:v55+s10+$0x0] =	vst.idx.msk $0xffff, v21;
	v15 =	vshll.u32 v15, $0x7;
	v25 =	vld.idx.msk [tilespmem:v18+s9+$0x0], $0xffff  }
0x86: {  	v33 =	vor.u32 $0x10, v3;
	v32 =	vor.u32 $0x7, v11;
	v15 =	vor.u32 v0, v15;
	[tilespmem:v19+s10+$0x0] =	vst.idx.msk $0xffff, v56;
	v23 =	vld.idx.msk [tilespmem:v23+s9+$0x0], $0xffff  }
0x87: {  	v34 =	vor.u32 $0x6, v12;
	v35 =	vor.u32 $0x2, v16;
	v36 =	vor.u32 $0x1, v17;
	[tilespmem:v14+s10+$0x0] =	vst.idx.msk $0xffff, v28;
	v27 =	vld.idx.msk [tilespmem:v58+s9+$0x0], $0xffff  }
0x88: {  	v20 =	vor.u32 $0xC, v2;
	v31 =	vor.u32 $0xF, v9;
	[tilespmem:v59+s10+$0x0] =	vst.idx.msk $0xffff, v57;
	v28 =	vor.u32 $0x11, v5;
	v37 =	vld.idx.msk [tilespmem:v24+s9+$0x0], $0xffff  }
0x89: {  	v21 =	vor.u32 $0x7, v13;
	v38 =	vor.u32 $0x1, v14;
	v24 =	vld.idx.msk [tilespmem:v60+s9+$0x0], $0xffff;
	[tilespmem:v61+s10+$0x0] =	vst.idx.msk $0xffff, v26;
	v26 =	vor.u32 $0x10, v8  }
0x8a: {  	s16 =	simm.s32 $0x90;
	s15 =	simm.s32 $0x6;
	v22 =	vor.u32 $0x7, v17;
	v18 =	vor.u32 $0xC, v12;
	v19 =	vor.u32 $0xC, v15;
	[tilespmem:v62+s10+$0x0] =	vst.idx.msk $0xffff, v30;
	v30 =	vld.idx.msk [tilespmem:v63+s9+$0x0], $0xffff  }
.LBB2_2:
0x8b: {  	s17 =	sadd.s32 $0xFFFFFFF0, s16;
	s15 =	sadd.s32 $0x2, s15;
	[tilespmem:v15+s10+$0x0] =	vst.idx.msk $0xffff, v29;
	v29 =	vld.idx.msk [tilespmem:v32+s9+$0x0], $0xffff;
	v32 =	vor.u32 $0xB, v6  }
0x8c: {  	v40 =	vor.u32 $0xA, v4;
	v41 =	vor.u32 $0xD, v7;
	v39 =	vmov s17;
	p0 =	slt.u32 s15, $0xE;
	v36 =	vld.idx.msk [tilespmem:v36+s9+$0x0], $0xffff;
	[tilespmem:v33+s10+$0x0] =	vst.idx.msk $0xffff, v23  }
0x8d: {  	v33 =	vor.u32 $0x1, v15;
	v23 =	vshll.u32 v39, $0x7;
	v39 =	vor.u32 $0x2, v17;
	[tilespmem:v31+s10+$0x0] =	vst.idx.msk $0xffff, v25;
	v28 =	vld.idx.msk [tilespmem:v28+s9+$0x0], $0xffff  }
0x8e: {  	v25 =	vor.u32 $0x13, v8;
	[tilespmem:v38+s10+$0x0] =	vst.idx.msk $0xffff, v37;
	v31 =	vld.idx.msk [tilespmem:v26+s9+$0x0], $0xffff;
	v26 =	vor.u32 $0x12, v9;
	v37 =	vor.u32 $0x11, v3  }
0x8f: {  	v38 =	vor.u32 $0x13, v5;
	v35 =	vld.idx.msk [tilespmem:v35+s9+$0x0], $0xffff;
	[tilespmem:v34+s10+$0x0] =	vst.idx.msk $0xffff, v27;
	v27 =	vor.u32 $0x10, v9;
	v34 =	vor.u32 $0x12, v5;
	v5 =	vmovc v7  }
0x90: {  	v42 =	vor.u32 $0x2, v14;
	v43 =	vld.idx.msk [tilespmem:v21+s9+$0x0], $0xffff;
	[tilespmem:v20+s10+$0x0] =	vst.idx.msk $0xffff, v30;
	v20 =	vor.u32 $0x11, v8;
	v30 =	vor.u32 $0x12, v8;
	v8 =	vmovc v6  }
0x91: {  	v44 =	vor.u32 $0x7, v12;
	v45 =	vor.u32 $0x12, v3;
	v6 =	vmovc v11;
	[tilespmem:v40+s10+$0x0] =	vst.idx.msk $0xffff, v24;
	v40 =	vld.idx.msk [tilespmem:v41+s9+$0x0], $0xffff;
	v41 =	vor.u32 $0x11, v9  }
0x92: {  	s14 =	sadd.s32 $0x20, s14;
	v11 =	vmovc v16;
	v24 =	vor.u32 $0xE, v8;
	[tilespmem:v33+s10+$0x0] =	vst.idx.msk $0xffff, v36;
	v32 =	vld.idx.msk [tilespmem:v32+s9+$0x0], $0xffff;
	v33 =	vor.u32 $0xD, v2;
	v36 =	vor.u32 $0xE, v2  }
0x93: {  	v46 =	vor.u32 $0xB, v4;
	v7 =	vmovc v13;
	v47 =	vor.u32 $0xF, v5;
	v16 =	vld.idx.msk [tilespmem:v39+s9+$0x0], $0xffff;
	v39 =	vor.u32 $0x8, v13;
	[tilespmem:v37+s10+$0x0] =	vst.idx.msk $0xffff, v28  }
0x94: {  	v48 =	vor.u32 $0xD, v4;
	v28 =	vor.u32 $0x3, v11;
	v37 =	vor.u32 $0x2, v15;
	v13 =	vmovc v17;
	[tilespmem:v27+s10+$0x0] =	vst.idx.msk $0xffff, v31;
	v27 =	vld.idx.msk [tilespmem:v34+s9+$0x0], $0xffff  }
0x95: {  	v21 =	vmovc v22;
	v17 =	vor.u32 $0x3, v13;
	v31 =	vor.u32 $0xC, v8;
	v34 =	vor.u32 $0xD, v8;
	[tilespmem:v42+s10+$0x0] =	vst.idx.msk $0xffff, v35;
	v35 =	vld.idx.msk [tilespmem:v20+s9+$0x0], $0xffff  }
0x96: {  	v42 =	vor.u32 $0x7, v10;
	v20 =	vmovc v18;
	v18 =	vmovc v19;
	v22 =	vld [tilespmem:s14+$0x0];
	[tilespmem:v44+s10+$0x0] =	vst.idx.msk $0xffff, v43;
	v43 =	vor.u32 $0xC, v4;
	v44 =	vor.u32 $0xE, v5  }
0x97: {  	v50 =	vor.u32 $0x8, v12;
	v51 =	vor.u32 $0xA, v7;
	v49 =	vor.u32 $0x8, v6;
	v19 =	vld [tilespmem:s14+$0xFFFFFFF0];
	[tilespmem:v33+s10+$0x0] =	vst.idx.msk $0xffff, v40  }
0x98: {  	v52 =	vor.u32 $0x9, v12;
	v33 =	vor.u32 $0x4, v15;
	v40 =	vor.u32 $0x9, v7;
	v39 =	vld.idx.msk [tilespmem:v39+s9+$0x0], $0xffff;
	[tilespmem:v46+s10+$0x0] =	vst.idx.msk $0xffff, v32  }
0x99: {  	v32 =	vor.u32 $0x3, v14;
	v46 =	vor.u32 $0x5, v11;
	v28 =	vld.idx.msk [tilespmem:v28+s9+$0x0], $0xffff;
	[tilespmem:v37+s10+$0x0] =	vst.idx.msk $0xffff, v16;
	v16 =	vor.u32 $0x3, v15  }
0x9a: {  	v53 =	vor.u32 $0x4, v14;
	v54 =	vor.u32 $0x4, v13;
	v37 =	vor.u32 $0x4, v11;
	v31 =	vld.idx.msk [tilespmem:v31+s9+$0x0], $0xffff;
	[tilespmem:v45+s10+$0x0] =	vst.idx.msk $0xffff, v27  }
0x9b: {  	vm1 =	vgt.s32 v22, $0xF;
	vm2 =	vgt.s32 v22, $0x1F;
	vm0 =	vgt.s32 v22, $0x3F;
	v17 =	vld.idx.msk [tilespmem:v17+s9+$0x0], $0xffff;
	[tilespmem:v41+s10+$0x0] =	vst.idx.msk $0xffff, v35  }
0x9c: {  	vm3 =	vlt.s32 v22, $0x5;
	vm4 =	vgt.s32 v22, $0x7;
	v27 =	vsel vm2, $0x1, v1;
	v30 =	vld.idx.msk [tilespmem:v30+s9+$0x0], $0xffff  }
0x9d: {  	vm2 =	vlt.s32 v19, $0x5;
	vm5 =	vgt.s32 v19, $0x7;
	v35 =	vsel vm1, $0x1, v1;
	[tilespmem:v42+s10+$0x0] =	vst.idx.msk $0xffff, v29;
	v29 =	vld.idx.msk [tilespmem:v44+s9+$0x0], $0xffff  }
0x9e: {  	vm1 =	vgt.s32 v19, $0x1F;
	v41 =	vnsel vm2, $0x5, v19;
	v42 =	vsel vm5, $0x1, v1;
	[tilespmem:v50+s10+$0x0] =	vst.idx.msk $0xffff, v39;
	v38 =	vld.idx.msk [tilespmem:v38+s9+$0x0], $0xffff  }
0x9f: {  	vm2 =	vgt.s32 v19, $0xF;
	v39 =	vadd.s32 v42, v41;
	v41 =	vsel vm4, $0x1, v1;
	[tilespmem:v32+s10+$0x0] =	vst.idx.msk $0xffff, v28;
	v28 =	vld.idx.msk [tilespmem:v40+s9+$0x0], $0xffff  }
0xa0: {  	v32 =	vsel vm2, $0x1, v1;
	v40 =	vsel vm1, $0x1, v1;
	vm1 =	vgt.s32 v19, $0x3F;
	v19 =	vld.idx.msk [tilespmem:v37+s9+$0x0], $0xffff;
	[tilespmem:v43+s10+$0x0] =	vst.idx.msk $0xffff, v31  }
0xa1: {  	v22 =	vnsel vm3, $0x5, v22;
	v31 =	vadd.s32 v32, v39;
	v32 =	vsel vm1, $0x1, v1;
	[tilespmem:v16+s10+$0x0] =	vst.idx.msk $0xffff, v17;
	v34 =	vld.idx.msk [tilespmem:v34+s9+$0x0], $0xffff  }
0xa2: {  	v16 =	vadd.s32 v40, v31;
	v17 =	vadd.s32 v41, v22;
	v31 =	vld.idx.msk [tilespmem:v54+s9+$0x0], $0xffff;
	[tilespmem:v26+s10+$0x0] =	vst.idx.msk $0xffff, v30  }
0xa3: {  	v22 =	vsel vm0, $0x1, v1;
	v16 =	vadd.s32 v32, v16;
	v17 =	vadd.s32 v35, v17;
	v25 =	vld.idx.msk [tilespmem:v25+s9+$0x0], $0xffff  }
0xa4: {  	v16 =	vshll.u32 v16, $0x7;
	v17 =	vadd.s32 v27, v17;
	v27 =	vor.u32 $0x13, v9;
	v26 =	vld.idx.msk [tilespmem:v49+s9+$0x0], $0xffff;
	[tilespmem:v36+s10+$0x0] =	vst.idx.msk $0xffff, v29  }
0xa5: {  	v30 =	vor.u32 $0x8, v10;
	v22 =	vadd.s32 v22, v17;
	v29 =	vor.u32 $0x5, v13;
	[tilespmem:v52+s10+$0x0] =	vst.idx.msk $0xffff, v28;
	v28 =	vld.idx.msk [tilespmem:v47+s9+$0x0], $0xffff  }
0xa6: {  	v35 =	vor.u32 $0xF, v2;
	v9 =	vmovc v4;
	v17 =	vshll.u32 v22, $0x7;
	[tilespmem:v53+s10+$0x0] =	vst.idx.msk $0xffff, v19;
	v19 =	vor.u32 $0x9, v6;
	v32 =	vld.idx.msk [tilespmem:v51+s9+$0x0], $0xffff  }
0xa7: {  	v37 =	vor.u32 $0xA, v12;
	v4 =	vmovc v10;
	v10 =	vmov v14;
	v22 =	vor.u32 $0x7, v17;
	v36 =	vld.idx.msk [tilespmem:v46+s9+$0x0], $0xffff;
	[tilespmem:v48+s10+$0x0] =	vst.idx.msk $0xffff, v34  }
0xa8: {  	v34 =	vor.u32 $0x5, v10;
	[tilespmem:v33+s10+$0x0] =	vst.idx.msk $0xffff, v31;
	v31 =	vor.u32 $0xB, v7;
	v24 =	vld.idx.msk [tilespmem:v24+s9+$0x0], $0xffff  }
0xa9: {  	v39 =	vor.u32 $0x6, v11;
	v40 =	vor.u32 $0xE, v9;
	v33 =	vld.idx.msk [tilespmem:v16+s9+$0x0], $0xffff;
	[tilespmem:v27+s10+$0x0] =	vst.idx.msk $0xffff, v25  }
0xaa: {  	v14 =	vor.u32 v0, v23;
	v25 =	vor.u32 $0xF, v8;
	v23 =	vld.idx.msk [tilespmem:v29+s9+$0x0], $0xffff;
	[tilespmem:v30+s10+$0x0] =	vst.idx.msk $0xffff, v26  }
0xab: {  	v27 =	vor.u32 $0x5, v15;
	v26 =	vor.u32 $0x1, v16;
	v30 =	vld.idx.msk [tilespmem:v19+s9+$0x0], $0xffff;
	[tilespmem:v35+s10+$0x0] =	vst.idx.msk $0xffff, v28;
	v19 =	vor.u32 $0x10, v5  }
0xac: {  	v41 =	vor.u32 $0x13, v3;
	v3 =	vmovc v2;
	v28 =	vor.u32 $0x6, v13;
	v35 =	vor.u32 $0x9, v4;
	v29 =	vld.idx.msk [tilespmem:v17+s9+$0x0], $0xffff;
	[tilespmem:v37+s10+$0x0] =	vst.idx.msk $0xffff, v32  }
0xad: {  	v2 =	vmov v12;
	v12 =	vmov v15;
	[tilespmem:v34+s10+$0x0] =	vst.idx.msk $0xffff, v36;
	v34 =	vld.idx.msk [tilespmem:v31+s9+$0x0], $0xffff  }
0xae: {  	v42 =	vor.u32 $0xA, v6;
	v43 =	vor.u32 $0xB, v2;
	v15 =	vmov s16;
	v39 =	vld.idx.msk [tilespmem:v39+s9+$0x0], $0xffff;
	[tilespmem:v40+s10+$0x0] =	vst.idx.msk $0xffff, v24  }
0xaf: {  	v44 =	vor.u32 $0xC, v7;
	v15 =	vshll.u32 v15, $0x7;
	v40 =	vor.u32 $0x6, v10;
	[tilespmem:v14+s10+$0x0] =	vst.idx.msk $0xffff, v33;
	v25 =	vld.idx.msk [tilespmem:v25+s9+$0x0], $0xffff  }
.Ltmp0:
0xb0: {  	v15 =	vor.u32 v0, v15;
	v32 =	vor.u32 $0x7, v11;
	v36 =	vor.u32 $0x1, v17;
	[tilespmem:v27+s10+$0x0] =	vst.idx.msk $0xffff, v23;
	v23 =	vld.idx.msk [tilespmem:v19+s9+$0x0], $0xffff;
	(pc) =	sbr.rel @p0 .LBB2_2-.Ltmp0, $4  }
0xb1: {  	v33 =	vor.u32 $0x10, v3;
	v19 =	vor.u32 $0xC, v15;
	v27 =	vld.idx.msk [tilespmem:v28+s9+$0x0], $0xffff;
	[tilespmem:v35+s10+$0x0] =	vst.idx.msk $0xffff, v30  }
0xb2: {  	v31 =	vor.u32 $0xF, v9;
	v35 =	vor.u32 $0x2, v16;
	v28 =	vor.u32 $0x11, v5;
	v37 =	vld.idx.msk [tilespmem:v26+s9+$0x0], $0xffff;
	[tilespmem:v41+s10+$0x0] =	vst.idx.msk $0xffff, v38  }
0xb3: {  	v38 =	vor.u32 $0x1, v14;
	v26 =	vor.u32 $0x10, v8;
	v24 =	vld.idx.msk [tilespmem:v42+s9+$0x0], $0xffff;
	[tilespmem:v43+s10+$0x0] =	vst.idx.msk $0xffff, v34  }
0xb4: {  	s16 =	sadd.s32 $0x20, s16;
	v34 =	vor.u32 $0x6, v12;
	[tilespmem:v40+s10+$0x0] =	vst.idx.msk $0xffff, v39;
	v30 =	vld.idx.msk [tilespmem:v44+s9+$0x0], $0xffff  }
0xb5: {  	_ =	sdelay $0x3  }
0xb6: {  	[tilespmem:v15+s10+$0x0] =	vst.idx.msk $0xffff, v29  }
0xb7: {  	v60 =	vor.u32 $0x1, v15;
	v29 =	vld.idx.msk [tilespmem:v36+s9+$0x0], $0xffff  }
0xb8: {  	v39 =	vor.u32 $0x2, v17;
	_ =	sdelay $0x2  }
0xb9: {  	[tilespmem:v38+s10+$0x0] =	vst.idx.msk $0xffff, v37  }
0xba: {  	v61 =	vor.u32 $0x2, v14;
	v35 =	vld.idx.msk [tilespmem:v35+s9+$0x0], $0xffff;
	[tilespmem:v60+s10+$0x0] =	vst.idx.msk $0xffff, v29  }
0xbb: {  	v62 =	vor.u32 $0x3, v16;
	v63 =	vor.u32 $0x2, v15;
	v29 =	vld.idx.msk [tilespmem:v39+s9+$0x0], $0xffff  }
0xbc: {  	v42 =	vor.u32 $0x3, v17;
	_ =	sdelay $0x2  }
0xbd: {  	[tilespmem:v61+s10+$0x0] =	vst.idx.msk $0xffff, v35  }
0xbe: {  	v43 =	vor.u32 $0x3, v14;
	v35 =	vld.idx.msk [tilespmem:v62+s9+$0x0], $0xffff;
	[tilespmem:v63+s10+$0x0] =	vst.idx.msk $0xffff, v29  }
0xbf: {  	v44 =	vor.u32 $0x4, v16;
	v29 =	vor.u32 $0x3, v15;
	v38 =	vld.idx.msk [tilespmem:v42+s9+$0x0], $0xffff  }
0xc0: {  	v45 =	vor.u32 $0x4, v17;
	_ =	sdelay $0x2  }
0xc1: {  	[tilespmem:v43+s10+$0x0] =	vst.idx.msk $0xffff, v35  }
0xc2: {  	v46 =	vor.u32 $0x4, v14;
	v36 =	vld.idx.msk [tilespmem:v44+s9+$0x0], $0xffff;
	[tilespmem:v29+s10+$0x0] =	vst.idx.msk $0xffff, v38  }
0xc3: {  	v47 =	vor.u32 $0x5, v16;
	v29 =	vor.u32 $0x4, v15;
	v38 =	vld.idx.msk [tilespmem:v45+s9+$0x0], $0xffff  }
0xc4: {  	v48 =	vor.u32 $0x5, v17;
	_ =	sdelay $0x2  }
0xc5: {  	[tilespmem:v46+s10+$0x0] =	vst.idx.msk $0xffff, v36  }
0xc6: {  	v49 =	vor.u32 $0x5, v14;
	v35 =	vld.idx.msk [tilespmem:v47+s9+$0x0], $0xffff;
	[tilespmem:v29+s10+$0x0] =	vst.idx.msk $0xffff, v38  }
0xc7: {  	v51 =	vor.u32 $0x5, v15;
	v29 =	vor.u32 $0x6, v16;
	v50 =	vld.idx.msk [tilespmem:v48+s9+$0x0], $0xffff  }
0xc8: {  	v52 =	vor.u32 $0x6, v17;
	_ =	sdelay $0x2  }
0xc9: {  	[tilespmem:v49+s10+$0x0] =	vst.idx.msk $0xffff, v35  }
0xca: {  	v53 =	vor.u32 $0x6, v14;
	v29 =	vld.idx.msk [tilespmem:v29+s9+$0x0], $0xffff;
	[tilespmem:v51+s10+$0x0] =	vst.idx.msk $0xffff, v50  }
0xcb: {  	v54 =	vor.u32 $0x7, v16;
	v55 =	vor.u32 $0x6, v15;
	v37 =	vld.idx.msk [tilespmem:v52+s9+$0x0], $0xffff;
	_ =	sdelay $0x1  }
0xcc: {  	[tilespmem:v33+s10+$0x0] =	vst.idx.msk $0xffff, v23  }
0xcd: {  	v23 =	vld.idx.msk [tilespmem:v32+s9+$0x0], $0xffff;
	[tilespmem:v34+s10+$0x0] =	vst.idx.msk $0xffff, v27;
	v27 =	vor.u32 $0x7, v10  }
0xce: {  	v56 =	vor.u32 $0x7, v12;
	v57 =	vor.u32 $0x8, v11;
	v21 =	vld.idx.msk [tilespmem:v21+s9+$0x0], $0xffff;
	[tilespmem:v53+s10+$0x0] =	vst.idx.msk $0xffff, v29  }
0xcf: {  	v59 =	vor.u32 $0x7, v14;
	v29 =	vor.u32 $0x8, v13;
	v58 =	vld.idx.msk [tilespmem:v54+s9+$0x0], $0xffff;
	[tilespmem:v55+s10+$0x0] =	vst.idx.msk $0xffff, v37  }
0xd0: {  	[tilespmem:v31+s10+$0x0] =	vst.idx.msk $0xffff, v25;
	v25 =	vor.u32 $0x7, v15;
	v31 =	vor.u32 $0x8, v16;
	v22 =	vld.idx.msk [tilespmem:v22+s9+$0x0], $0xffff  }
0xd1: {  	[tilespmem:v20+s10+$0x0] =	vst.idx.msk $0xffff, v30;
	v20 =	vor.u32 $0x8, v17;
	v60 =	vor.u32 $0xA, v4  }
0xd2: {  	v28 =	vld.idx.msk [tilespmem:v28+s9+$0x0], $0xffff;
	v30 =	vor.u32 $0x11, v3;
	[tilespmem:v27+s10+$0x0] =	vst.idx.msk $0xffff, v23  }
0xd3: {  	v23 =	vor.u32 $0xD, v7;
	v27 =	vor.u32 $0x8, v10;
	[tilespmem:v56+s10+$0x0] =	vst.idx.msk $0xffff, v21;
	v21 =	vld.idx.msk [tilespmem:v57+s9+$0x0], $0xffff  }
0xd4: {  	v61 =	vor.u32 $0x8, v12;
	v62 =	vor.u32 $0x9, v11;
	v29 =	vld.idx.msk [tilespmem:v29+s9+$0x0], $0xffff;
	[tilespmem:v59+s10+$0x0] =	vst.idx.msk $0xffff, v58  }
0xd5: {  	v63 =	vor.u32 $0x9, v13;
	[tilespmem:v25+s10+$0x0] =	vst.idx.msk $0xffff, v22;
	v22 =	vld.idx.msk [tilespmem:v31+s9+$0x0], $0xffff;
	v25 =	vor.u32 $0x8, v14  }
0xd6: {  	[tilespmem:v60+s10+$0x0] =	vst.idx.msk $0xffff, v24;
	v24 =	vor.u32 $0x8, v15;
	v31 =	vor.u32 $0x9, v16;
	v20 =	vld.idx.msk [tilespmem:v20+s9+$0x0], $0xffff  }
0xd7: {  	v40 =	vor.u32 $0x10, v9;
	v26 =	vld.idx.msk [tilespmem:v26+s9+$0x0], $0xffff;
	[tilespmem:v30+s10+$0x0] =	vst.idx.msk $0xffff, v28;
	v28 =	vor.u32 $0x9, v17  }
0xd8: {  	v41 =	vor.u32 $0xD, v2;
	v23 =	vld.idx.msk [tilespmem:v23+s9+$0x0], $0xffff;
	[tilespmem:v27+s10+$0x0] =	vst.idx.msk $0xffff, v21;
	v21 =	vor.u32 $0x12, v5  }
0xd9: {  	v30 =	vor.u32 $0xB, v6;
	v27 =	vld.idx.msk [tilespmem:v62+s9+$0x0], $0xffff;
	[tilespmem:v61+s10+$0x0] =	vst.idx.msk $0xffff, v29;
	v29 =	vor.u32 $0x9, v10  }
0xda: {  	v42 =	vor.u32 $0x9, v12;
	v44 =	vor.u32 $0xA, v11;
	v43 =	vld.idx.msk [tilespmem:v63+s9+$0x0], $0xffff;
	[tilespmem:v25+s10+$0x0] =	vst.idx.msk $0xffff, v22  }
0xdb: {  	v22 =	vor.u32 $0xA, v13;
	[tilespmem:v24+s10+$0x0] =	vst.idx.msk $0xffff, v20;
	v20 =	vld.idx.msk [tilespmem:v31+s9+$0x0], $0xffff;
	v24 =	vor.u32 $0x9, v14  }
0xdc: {  	[tilespmem:v40+s10+$0x0] =	vst.idx.msk $0xffff, v26;
	v25 =	vor.u32 $0x9, v15;
	v26 =	vld.idx.msk [tilespmem:v28+s9+$0x0], $0xffff;
	v28 =	vor.u32 $0xA, v16  }
0xdd: {  	[tilespmem:v41+s10+$0x0] =	vst.idx.msk $0xffff, v23;
	v23 =	vor.u32 $0xA, v17;
	v21 =	vld.idx.msk [tilespmem:v21+s9+$0x0], $0xffff;
	v46 =	vor.u32 $0x12, v3  }
0xde: {  	v30 =	vld.idx.msk [tilespmem:v30+s9+$0x0], $0xffff;
	v45 =	vor.u32 $0x11, v8;
	v31 =	vor.u32 $0xB, v4;
	[tilespmem:v29+s10+$0x0] =	vst.idx.msk $0xffff, v27  }
0xdf: {  	v47 =	vor.u32 $0xA, v10;
	v27 =	vor.u32 $0xC, v6;
	[tilespmem:v42+s10+$0x0] =	vst.idx.msk $0xffff, v43;
	v29 =	vld.idx.msk [tilespmem:v44+s9+$0x0], $0xffff  }
0xe0: {  	v48 =	vor.u32 $0xA, v12;
	v49 =	vor.u32 $0xB, v11;
	v22 =	vld.idx.msk [tilespmem:v22+s9+$0x0], $0xffff;
	[tilespmem:v24+s10+$0x0] =	vst.idx.msk $0xffff, v20  }
0xe1: {  	v20 =	vor.u32 $0xB, v13;
	[tilespmem:v25+s10+$0x0] =	vst.idx.msk $0xffff, v26;
	v24 =	vld.idx.msk [tilespmem:v28+s9+$0x0], $0xffff;
	v25 =	vor.u32 $0xA, v14  }
0xe2: {  	[tilespmem:v46+s10+$0x0] =	vst.idx.msk $0xffff, v21;
	v26 =	vor.u32 $0xA, v15;
	v28 =	vor.u32 $0xB, v16;
	v23 =	vld.idx.msk [tilespmem:v23+s9+$0x0], $0xffff  }
0xe3: {  	v21 =	vor.u32 $0xB, v17;
	[tilespmem:v31+s10+$0x0] =	vst.idx.msk $0xffff, v30;
	v30 =	vor.u32 $0x11, v9;
	v31 =	vld.idx.msk [tilespmem:v45+s9+$0x0], $0xffff  }
0xe4: {  	v50 =	vor.u32 $0x12, v8;
	v51 =	vor.u32 $0xC, v4;
	v27 =	vld.idx.msk [tilespmem:v27+s9+$0x0], $0xffff;
	[tilespmem:v47+s10+$0x0] =	vst.idx.msk $0xffff, v29  }
0xe5: {  	v52 =	vor.u32 $0xB, v10;
	v29 =	vor.u32 $0xE, v7;
	[tilespmem:v48+s10+$0x0] =	vst.idx.msk $0xffff, v22;
	v22 =	vld.idx.msk [tilespmem:v49+s9+$0x0], $0xffff  }
0xe6: {  	v53 =	vor.u32 $0xB, v12;
	v54 =	vor.u32 $0xC, v11;
	v20 =	vld.idx.msk [tilespmem:v20+s9+$0x0], $0xffff;
	[tilespmem:v25+s10+$0x0] =	vst.idx.msk $0xffff, v24  }
0xe7: {  	v24 =	vor.u32 $0xC, v13;
	v25 =	vor.u32 $0xB, v14;
	[tilespmem:v26+s10+$0x0] =	vst.idx.msk $0xffff, v23;
	v23 =	vld.idx.msk [tilespmem:v28+s9+$0x0], $0xffff  }
0xe8: {  	[tilespmem:v30+s10+$0x0] =	vst.idx.msk $0xffff, v31;
	v26 =	vor.u32 $0xB, v15;
	v28 =	vor.u32 $0xC, v16;
	v21 =	vld.idx.msk [tilespmem:v21+s9+$0x0], $0xffff  }
0xe9: {  	v30 =	vor.u32 $0x12, v9;
	v31 =	vld.idx.msk [tilespmem:v50+s9+$0x0], $0xffff;
	[tilespmem:v51+s10+$0x0] =	vst.idx.msk $0xffff, v27;
	v27 =	vor.u32 $0xC, v17  }
0xea: {  	v56 =	vor.u32 $0xD, v6;
	v55 =	vor.u32 $0xE, v2;
	v29 =	vld.idx.msk [tilespmem:v29+s9+$0x0], $0xffff;
	[tilespmem:v52+s10+$0x0] =	vst.idx.msk $0xffff, v22  }
0xeb: {  	v8 =	vor.u32 $0x13, v8;
	[tilespmem:v53+s10+$0x0] =	vst.idx.msk $0xffff, v20;
	v20 =	vor.u32 $0xC, v10;
	v22 =	vld.idx.msk [tilespmem:v54+s9+$0x0], $0xffff  }
0xec: {  	v57 =	vor.u32 $0xD, v11;
	v24 =	vld.idx.msk [tilespmem:v24+s9+$0x0], $0xffff;
	[tilespmem:v25+s10+$0x0] =	vst.idx.msk $0xffff, v23  }
0xed: {  	v23 =	vor.u32 $0xD, v13;
	[tilespmem:v26+s10+$0x0] =	vst.idx.msk $0xffff, v21;
	v21 =	vor.u32 $0xC, v14;
	v25 =	vld.idx.msk [tilespmem:v28+s9+$0x0], $0xffff  }
0xee: {  	[tilespmem:v30+s10+$0x0] =	vst.idx.msk $0xffff, v31;
	v26 =	vld.idx.msk [tilespmem:v27+s9+$0x0], $0xffff;
	v27 =	vor.u32 $0xD, v16  }
0xef: {  	v30 =	vld.idx.msk [tilespmem:v56+s9+$0x0], $0xffff;
	[tilespmem:v55+s10+$0x0] =	vst.idx.msk $0xffff, v29;
	v29 =	vor.u32 $0xD, v17;
	v28 =	vor.u32 $0xD, v4  }
0xf0: {  	v9 =	vor.u32 $0x13, v9;
	v31 =	vor.u32 $0xE, v6;
	v8 =	vld.idx.msk [tilespmem:v8+s9+$0x0], $0xffff;
	[tilespmem:v20+s10+$0x0] =	vst.idx.msk $0xffff, v22  }
0xf1: {  	v20 =	vor.u32 $0xF, v7;
	[tilespmem:v18+s10+$0x0] =	vst.idx.msk $0xffff, v24;
	v18 =	vor.u32 $0xD, v10;
	v22 =	vld.idx.msk [tilespmem:v57+s9+$0x0], $0xffff  }
0xf2: {  	v58 =	vor.u32 $0xD, v12;
	v24 =	vor.u32 $0xE, v11;
	v23 =	vld.idx.msk [tilespmem:v23+s9+$0x0], $0xffff;
	[tilespmem:v21+s10+$0x0] =	vst.idx.msk $0xffff, v25  }
0xf3: {  	v21 =	vor.u32 $0xE, v13;
	[tilespmem:v19+s10+$0x0] =	vst.idx.msk $0xffff, v26;
	v19 =	vor.u32 $0xD, v14;
	v25 =	vld.idx.msk [tilespmem:v27+s9+$0x0], $0xffff  }
0xf4: {  	[tilespmem:v28+s10+$0x0] =	vst.idx.msk $0xffff, v30;
	v28 =	vor.u32 $0xD, v15;
	v27 =	vor.u32 $0xE, v16;
	v26 =	vld.idx.msk [tilespmem:v29+s9+$0x0], $0xffff  }
0xf5: {  	[tilespmem:v9+s10+$0x0] =	vst.idx.msk $0xffff, v8;
	v8 =	vor.u32 $0xE, v17;
	v30 =	vor.u32 $0xE, v4;
	v29 =	vld.idx.msk [tilespmem:v31+s9+$0x0], $0xffff  }
0xf6: {  	v9 =	vld.idx.msk [tilespmem:v20+s9+$0x0], $0xffff;
	v20 =	vor.u32 $0xF, v2;
	v31 =	vor.u32 $0xF, v6;
	[tilespmem:v18+s10+$0x0] =	vst.idx.msk $0xffff, v22  }
0xf7: {  	v5 =	vor.u32 $0x13, v5;
	v22 =	vor.u32 $0xE, v10;
	[tilespmem:v58+s10+$0x0] =	vst.idx.msk $0xffff, v23;
	v18 =	vld.idx.msk [tilespmem:v24+s9+$0x0], $0xffff  }
0xf8: {  	v23 =	vor.u32 $0xE, v12;
	v24 =	vor.u32 $0xF, v11;
	v21 =	vld.idx.msk [tilespmem:v21+s9+$0x0], $0xffff;
	[tilespmem:v19+s10+$0x0] =	vst.idx.msk $0xffff, v25  }
0xf9: {  	v19 =	vor.u32 $0xF, v13;
	[tilespmem:v28+s10+$0x0] =	vst.idx.msk $0xffff, v26;
	v25 =	vld.idx.msk [tilespmem:v27+s9+$0x0], $0xffff;
	v26 =	vor.u32 $0xE, v14  }
0xfa: {  	[tilespmem:v30+s10+$0x0] =	vst.idx.msk $0xffff, v29;
	v27 =	vor.u32 $0xE, v15;
	v28 =	vor.u32 $0xF, v16;
	v8 =	vld.idx.msk [tilespmem:v8+s9+$0x0], $0xffff  }
0xfb: {  	[tilespmem:v20+s10+$0x0] =	vst.idx.msk $0xffff, v9;
	v20 =	vor.u32 $0xF, v4;
	v29 =	vor.u32 $0xF, v17;
	v9 =	vld.idx.msk [tilespmem:v31+s9+$0x0], $0xffff  }
0xfc: {  	v3 =	vor.u32 $0x13, v3;
	v5 =	vld.idx.msk [tilespmem:v5+s9+$0x0], $0xffff;
	v30 =	vor.u32 $0x10, v6;
	[tilespmem:v22+s10+$0x0] =	vst.idx.msk $0xffff, v18  }
0xfd: {  	v18 =	vor.u32 $0x10, v7;
	v22 =	vor.u32 $0xF, v10;
	[tilespmem:v23+s10+$0x0] =	vst.idx.msk $0xffff, v21;
	v21 =	vld.idx.msk [tilespmem:v24+s9+$0x0], $0xffff  }
0xfe: {  	v23 =	vor.u32 $0xF, v12;
	v24 =	vor.u32 $0x10, v11;
	v19 =	vld.idx.msk [tilespmem:v19+s9+$0x0], $0xffff;
	[tilespmem:v26+s10+$0x0] =	vst.idx.msk $0xffff, v25  }
0xff: {  	v25 =	vor.u32 $0x10, v13;
	v26 =	vor.u32 $0xF, v14;
	[tilespmem:v27+s10+$0x0] =	vst.idx.msk $0xffff, v8;
	v8 =	vld.idx.msk [tilespmem:v28+s9+$0x0], $0xffff  }
0x100: {  	[tilespmem:v20+s10+$0x0] =	vst.idx.msk $0xffff, v9;
	v20 =	vor.u32 $0xF, v15;
	v27 =	vor.u32 $0x10, v16;
	v9 =	vld.idx.msk [tilespmem:v29+s9+$0x0], $0xffff  }
0x101: {  	[tilespmem:v3+s10+$0x0] =	vst.idx.msk $0xffff, v5;
	v5 =	vor.u32 $0x10, v4;
	v28 =	vor.u32 $0x10, v17;
	v3 =	vld.idx.msk [tilespmem:v30+s9+$0x0], $0xffff  }
0x102: {  	v18 =	vld.idx.msk [tilespmem:v18+s9+$0x0], $0xffff;
	v29 =	vor.u32 $0x10, v2;
	v30 =	vor.u32 $0x11, v6;
	[tilespmem:v22+s10+$0x0] =	vst.idx.msk $0xffff, v21  }
0x103: {  	v21 =	vor.u32 $0x11, v7;
	v22 =	vor.u32 $0x10, v10;
	[tilespmem:v23+s10+$0x0] =	vst.idx.msk $0xffff, v19;
	v19 =	vld.idx.msk [tilespmem:v24+s9+$0x0], $0xffff  }
0x104: {  	v24 =	vor.u32 $0x10, v12;
	v23 =	vld.idx.msk [tilespmem:v25+s9+$0x0], $0xffff;
	v25 =	vor.u32 $0x11, v11;
	[tilespmem:v26+s10+$0x0] =	vst.idx.msk $0xffff, v8  }
0x105: {  	v8 =	vor.u32 $0x11, v13;
	[tilespmem:v20+s10+$0x0] =	vst.idx.msk $0xffff, v9;
	v9 =	vld.idx.msk [tilespmem:v27+s9+$0x0], $0xffff;
	v20 =	vor.u32 $0x10, v14  }
0x106: {  	v26 =	vor.u32 $0x11, v16;
	[tilespmem:v5+s10+$0x0] =	vst.idx.msk $0xffff, v3;
	v5 =	vor.u32 $0x10, v15;
	v3 =	vld.idx.msk [tilespmem:v28+s9+$0x0], $0xffff  }
0x107: {  	[tilespmem:v29+s10+$0x0] =	vst.idx.msk $0xffff, v18;
	v18 =	vor.u32 $0x11, v4;
	v27 =	vld.idx.msk [tilespmem:v30+s9+$0x0], $0xffff;
	v28 =	vor.u32 $0x11, v17  }
0x108: {  	v29 =	vor.u32 $0x11, v2;
	v21 =	vld.idx.msk [tilespmem:v21+s9+$0x0], $0xffff;
	v30 =	vor.u32 $0x12, v6;
	[tilespmem:v22+s10+$0x0] =	vst.idx.msk $0xffff, v19  }
0x109: {  	v19 =	vor.u32 $0x12, v7;
	v22 =	vor.u32 $0x11, v10;
	[tilespmem:v24+s10+$0x0] =	vst.idx.msk $0xffff, v23;
	v23 =	vld.idx.msk [tilespmem:v25+s9+$0x0], $0xffff  }
0x10a: {  	v24 =	vor.u32 $0x11, v12;
	v25 =	vor.u32 $0x12, v11;
	v8 =	vld.idx.msk [tilespmem:v8+s9+$0x0], $0xffff;
	[tilespmem:v20+s10+$0x0] =	vst.idx.msk $0xffff, v9  }
0x10b: {  	v9 =	vor.u32 $0x12, v13;
	[tilespmem:v5+s10+$0x0] =	vst.idx.msk $0xffff, v3;
	v3 =	vor.u32 $0x11, v14;
	v5 =	vld.idx.msk [tilespmem:v26+s9+$0x0], $0xffff  }
0x10c: {  	v20 =	vor.u32 $0x11, v15;
	[tilespmem:v18+s10+$0x0] =	vst.idx.msk $0xffff, v27;
	v26 =	vor.u32 $0x12, v16;
	v18 =	vld.idx.msk [tilespmem:v28+s9+$0x0], $0xffff  }
0x10d: {  	v27 =	vor.u32 $0x12, v4;
	[tilespmem:v29+s10+$0x0] =	vst.idx.msk $0xffff, v21;
	v21 =	vld.idx.msk [tilespmem:v30+s9+$0x0], $0xffff;
	v28 =	vor.u32 $0x12, v17  }
0x10e: {  	v6 =	vor.u32 $0x13, v6;
	v29 =	vor.u32 $0x12, v2;
	v19 =	vld.idx.msk [tilespmem:v19+s9+$0x0], $0xffff;
	[tilespmem:v22+s10+$0x0] =	vst.idx.msk $0xffff, v23  }
0x10f: {  	v7 =	vor.u32 $0x13, v7;
	v22 =	vor.u32 $0x12, v10;
	[tilespmem:v24+s10+$0x0] =	vst.idx.msk $0xffff, v8;
	v8 =	vld.idx.msk [tilespmem:v25+s9+$0x0], $0xffff  }
0x110: {  	v11 =	vor.u32 $0x13, v11;
	v23 =	vor.u32 $0x12, v12;
	v9 =	vld.idx.msk [tilespmem:v9+s9+$0x0], $0xffff;
	[tilespmem:v3+s10+$0x0] =	vst.idx.msk $0xffff, v5  }
0x111: {  	v3 =	vor.u32 $0x13, v13;
	v5 =	vor.u32 $0x12, v14;
	[tilespmem:v20+s10+$0x0] =	vst.idx.msk $0xffff, v18;
	v13 =	vld.idx.msk [tilespmem:v26+s9+$0x0], $0xffff  }
0x112: {  	v16 =	vor.u32 $0x13, v16;
	[tilespmem:v27+s10+$0x0] =	vst.idx.msk $0xffff, v21;
	v18 =	vor.u32 $0x12, v15;
	v20 =	vld.idx.msk [tilespmem:v28+s9+$0x0], $0xffff  }
0x113: {  	v4 =	vor.u32 $0x13, v4;
	v17 =	vor.u32 $0x13, v17;
	[tilespmem:v29+s10+$0x0] =	vst.idx.msk $0xffff, v19;
	v6 =	vld.idx.msk [tilespmem:v6+s9+$0x0], $0xffff  }
0x114: {  	v2 =	vor.u32 $0x13, v2;
	v7 =	vld.idx.msk [tilespmem:v7+s9+$0x0], $0xffff;
	[tilespmem:v22+s10+$0x0] =	vst.idx.msk $0xffff, v8  }
0x115: {  	[tilespmem:v23+s10+$0x0] =	vst.idx.msk $0xffff, v9;
	v8 =	vld.idx.msk [tilespmem:v11+s9+$0x0], $0xffff;
	v9 =	vor.u32 $0x13, v10  }
0x116: {  	v10 =	vor.u32 $0x13, v12;
	v3 =	vld.idx.msk [tilespmem:v3+s9+$0x0], $0xffff;
	[tilespmem:v5+s10+$0x0] =	vst.idx.msk $0xffff, v13  }
0x117: {  	v11 =	vor.u32 $0x13, v14;
	[tilespmem:v18+s10+$0x0] =	vst.idx.msk $0xffff, v20;
	v5 =	vld.idx.msk [tilespmem:v16+s9+$0x0], $0xffff  }
0x118: {  	[tilespmem:v4+s10+$0x0] =	vst.idx.msk $0xffff, v6;
	v6 =	vor.u32 $0x13, v15;
	v4 =	vld.idx.msk [tilespmem:v17+s9+$0x0], $0xffff  }
0x119: {  	[tilespmem:v2+s10+$0x0] =	vst.idx.msk $0xffff, v7  }
0x11a: {  	[tilespmem:v9+s10+$0x0] =	vst.idx.msk $0xffff, v8  }
0x11b: {  	[tilespmem:v10+s10+$0x0] =	vst.idx.msk $0xffff, v3  }
0x11c: {  	[tilespmem:v11+s10+$0x0] =	vst.idx.msk $0xffff, v5  }
0x11d: {  	s14 =	simm.s32 $0x110;
	[tilespmem:v6+s10+$0x0] =	vst.idx.msk $0xffff, v4  }
0x11e: {  	[hbm4b:s5+s3] =	stream.linear.scatter [tilespmem:s10], [sflag:$0x1], $0x8000, $0x38;
	[tilespmem:$0x10A00] =	vst v63  }
0x11f: {  	v2 =	vld [tilespmem:s14+$0x0];
	_ =	sdelay $0x4  }
0x120: {  	vm0 =	vlt.s32 v2, $0x5;
	vm1 =	vgt.s32 v2, $0x7  }
0x121: {  	vm2 =	vgt.s32 v2, $0xF;
	v3 =	vsel vm1, $0x1, v1;
	v4 =	vnsel vm0, $0x5, v2  }
0x122: {  	vm7 =	vgt.s32 v2, $0x1F;
	v5 =	vsel vm2, $0x1, v1;
	v3 =	vadd.s32 v3, v4  }
0x123: {  	v6 =	vld [tilespmem:s14+$0xFFFFFFF0];
	vm8 =	vgt.s32 v2, $0x3F;
	v2 =	vsel vm7, $0x1, v1;
	v3 =	vadd.s32 v5, v3  }
0x124: {  	v4 =	vsel vm8, $0x1, v1;
	v2 =	vadd.s32 v2, v3  }
0x125: {  	v2 =	vadd.s32 v4, v2  }
0x126: {  	v5 =	vshll.u32 v2, $0x7;
	_ =	sdelay $0x1  }
0x127: {  	vm9 =	vlt.s32 v6, $0x5;
	vm10 =	vgt.s32 v6, $0x7;
	vm11 =	vgt.s32 v6, $0x1F  }
0x128: {  	v3 =	vsel vm10, $0x1, v1;
	v4 =	vmov s14;
	v2 =	vnsel vm9, $0x5, v6  }
0x129: {  	vm12 =	vgt.s32 v6, $0xF;
	v2 =	vadd.s32 v3, v2;
	v3 =	vshll.u32 v4, $0x7  }
0x12a: {  	vm13 =	vgt.s32 v6, $0x3F;
	v4 =	vsel vm12, $0x1, v1;
	v3 =	vor.u32 v0, v3;
	v9 =	vld.idx.msk [tilespmem:v5+s9+$0x0], $0xffff  }
0x12b: {  	v7 =	vsel vm11, $0x1, v1;
	v2 =	vadd.s32 v4, v2;
	v4 =	vor.u32 $0x1, v5  }
0x12c: {  	v6 =	vsel vm13, $0x1, v1;
	v2 =	vadd.s32 v7, v2  }
0x12d: {  	v2 =	vadd.s32 v6, v2  }
0x12e: {  	v8 =	vshll.u32 v2, $0x7  }
0x12f: {  	[tilespmem:v3+s10+$0x0] =	vst.idx.msk $0xffff, v9  }
0x130: {  	s26 =	simm.s32 $0x100;
	v2 =	vld.idx.msk [tilespmem:v4+s9+$0x0], $0xffff;
	v4 =	vor.u32 $0x1, v3  }
0x131: {  	v7 =	vor.u32 $0x2, v5;
	v6 =	vmov s26  }
0x132: {  	v6 =	vshll.u32 v6, $0x7  }
0x133: {  	v10 =	vld.idx.msk [tilespmem:v8+s9+$0x0], $0xffff;
	v9 =	vor.u32 v0, v6  }
0x134: {  	s28 =	simm.s32 $0x130;
	v6 =	vor.u32 $0x1, v8  }
0x135: {  	v12 =	vld [tilespmem:s28+$0xFFFFFFF0];
	[tilespmem:v4+s10+$0x0] =	vst.idx.msk $0xffff, v2  }
0x136: {  	v4 =	vor.u32 $0x2, v3;
	v2 =	vld.idx.msk [tilespmem:v7+s9+$0x0], $0xffff  }
0x137: {  	v7 =	vor.u32 $0x3, v5  }
0x138: {  	[tilespmem:v9+s10+$0x0] =	vst.idx.msk $0xffff, v10;
	v10 =	vld [tilespmem:s28+$0x0]  }
0x139: {  	v11 =	vor.u32 $0x1, v9;
	v6 =	vld.idx.msk [tilespmem:v6+s9+$0x0], $0xffff  }
0x13a: {  	vm11 =	vgt.s32 v12, $0x1F;
	vm10 =	vgt.s32 v12, $0x7;
	v13 =	vor.u32 $0x2, v8  }
0x13b: {  	v18 =	vsel vm10, $0x1, v1;
	vm9 =	vlt.s32 v12, $0x5;
	vm13 =	vgt.s32 v12, $0x3F;
	[tilespmem:v4+s10+$0x0] =	vst.idx.msk $0xffff, v2  }
0x13c: {  	v16 =	vor.u32 $0x4, v5;
	vm12 =	vgt.s32 v12, $0xF;
	v4 =	vor.u32 $0x3, v3;
	v7 =	vld.idx.msk [tilespmem:v7+s9+$0x0], $0xffff  }
0x13d: {  	v15 =	vor.u32 $0x3, v8;
	v14 =	vor.u32 $0x2, v9;
	vm14 =	vgt.s32 v10, $0xF  }
0x13e: {  	vm15 =	vgt.s32 v10, $0x1F;
	vm3 =	vlt.s32 v10, $0x5;
	vm4 =	vgt.s32 v10, $0x7;
	[tilespmem:v11+s10+$0x0] =	vst.idx.msk $0xffff, v6  }
0x13f: {  	vm8 =	vgt.s32 v10, $0x3F;
	v6 =	vsel vm4, $0x1, v1;
	v10 =	vnsel vm3, $0x5, v10;
	v11 =	vld.idx.msk [tilespmem:v13+s9+$0x0], $0xffff  }
0x140: {  	v17 =	vsel vm15, $0x1, v1;
	v13 =	vsel vm14, $0x1, v1;
	v6 =	vadd.s32 v6, v10  }
0x141: {  	v2 =	vor.u32 $0x4, v3;
	v10 =	vnsel vm9, $0x5, v12;
	[tilespmem:v4+s10+$0x0] =	vst.idx.msk $0xffff, v7;
	v4 =	vadd.s32 v13, v6  }
0x142: {  	v10 =	vadd.s32 v18, v10;
	v7 =	vsel vm8, $0x1, v1;
	v6 =	vld.idx.msk [tilespmem:v16+s9+$0x0], $0xffff;
	v4 =	vadd.s32 v17, v4  }
0x143: {  	v13 =	vor.u32 $0x5, v5;
	v16 =	vsel vm12, $0x1, v1;
	v4 =	vadd.s32 v7, v4  }
0x144: {  	[tilespmem:v14+s10+$0x0] =	vst.idx.msk $0xffff, v11;
	v10 =	vadd.s32 v16, v10;
	v7 =	vshll.u32 v4, $0x7;
	v4 =	vsel vm11, $0x1, v1  }
0x145: {  	v12 =	vor.u32 $0x3, v9;
	v14 =	vsel vm13, $0x1, v1;
	v11 =	vld.idx.msk [tilespmem:v15+s9+$0x0], $0xffff;
	v4 =	vadd.s32 v4, v10  }
0x146: {  	v10 =	vor.u32 $0x4, v8;
	v4 =	vadd.s32 v14, v4  }
0x147: {  	[tilespmem:v2+s10+$0x0] =	vst.idx.msk $0xffff, v6;
	v2 =	vmov s28;
	v6 =	vshll.u32 v4, $0x7  }
0x148: {  	v14 =	vor.u32 $0x5, v3;
	v13 =	vld.idx.msk [tilespmem:v13+s9+$0x0], $0xffff;
	v2 =	vshll.u32 v2, $0x7  }
0x149: {  	s29 =	simm.s32 $0x120;
	s30 =	simm.s32 $0x150;
	v16 =	vor.u32 $0x6, v5;
	v15 =	vld.idx.msk [tilespmem:v7+s9+$0x0], $0xffff;
	v2 =	vor.u32 v0, v2  }
0x14a: {  	v24 =	vld [tilespmem:s30+$0x0];
	v17 =	vor.u32 $0x1, v7;
	[tilespmem:v12+s10+$0x0] =	vst.idx.msk $0xffff, v11;
	v4 =	vmov s29  }
0x14b: {  	v11 =	vor.u32 $0x4, v9;
	v4 =	vshll.u32 v4, $0x7;
	v10 =	vld.idx.msk [tilespmem:v10+s9+$0x0], $0xffff  }
0x14c: {  	v12 =	vor.u32 $0x5, v8;
	v4 =	vor.u32 v0, v4;
	v18 =	vld.idx.msk [tilespmem:v6+s9+$0x0], $0xffff  }
0x14d: {  	v26 =	vld [tilespmem:s30+$0xFFFFFFF0];
	[tilespmem:v14+s10+$0x0] =	vst.idx.msk $0xffff, v13;
	v13 =	vor.u32 $0x1, v6  }
0x14e: {  	v14 =	vld.idx.msk [tilespmem:v16+s9+$0x0], $0xffff;
	v16 =	vor.u32 $0x6, v3;
	[tilespmem:v2+s10+$0x0] =	vst.idx.msk $0xffff, v15  }
0x14f: {  	v19 =	vor.u32 $0x1, v2;
	v15 =	vor.u32 $0x7, v5;
	v17 =	vld.idx.msk [tilespmem:v17+s9+$0x0], $0xffff  }
0x150: {  	[tilespmem:v11+s10+$0x0] =	vst.idx.msk $0xffff, v10  }
0x151: {  	v20 =	vor.u32 $0x2, v7;
	v11 =	vor.u32 $0x5, v9;
	v10 =	vld.idx.msk [tilespmem:v12+s9+$0x0], $0xffff;
	[tilespmem:v4+s10+$0x0] =	vst.idx.msk $0xffff, v18  }
0x152: {  	v12 =	vor.u32 $0x6, v8;
	v18 =	vor.u32 $0x1, v4;
	v13 =	vld.idx.msk [tilespmem:v13+s9+$0x0], $0xffff  }
0x153: {  	[tilespmem:v16+s10+$0x0] =	vst.idx.msk $0xffff, v14;
	v14 =	vor.u32 $0x2, v6  }
0x154: {  	vm5 =	vgt.s32 v26, $0x7;
	vm1 =	vgt.s32 v24, $0xF;
	v15 =	vld.idx.msk [tilespmem:v15+s9+$0x0], $0xffff;
	[tilespmem:v19+s10+$0x0] =	vst.idx.msk $0xffff, v17;
	v19 =	vor.u32 $0x7, v3  }
0x155: {  	vm10 =	vgt.s32 v24, $0x7;
	v22 =	vor.u32 $0x8, v5;
	v27 =	vor.u32 $0xA, v5  }
0x156: {  	v29 =	vor.u32 $0x9, v5;
	v30 =	vor.u32 $0x9, v3;
	v20 =	vld.idx.msk [tilespmem:v20+s9+$0x0], $0xffff;
	[tilespmem:v11+s10+$0x0] =	vst.idx.msk $0xffff, v10;
	v10 =	vor.u32 $0x2, v2  }
0x157: {  	v25 =	vor.u32 $0x7, v9;
	v16 =	vor.u32 $0x6, v9;
	v11 =	vor.u32 $0x3, v7;
	v12 =	vld.idx.msk [tilespmem:v12+s9+$0x0], $0xffff;
	[tilespmem:v18+s10+$0x0] =	vst.idx.msk $0xffff, v13  }
0x158: {  	vm15 =	vgt.s32 v24, $0x3F;
	v21 =	vor.u32 $0x2, v4;
	v17 =	vor.u32 $0x7, v8;
	v14 =	vld.idx.msk [tilespmem:v14+s9+$0x0], $0xffff  }
0x159: {  	vm14 =	vgt.s32 v24, $0x1F;
	vm9 =	vlt.s32 v24, $0x5;
	v23 =	vor.u32 $0x3, v6;
	[tilespmem:v19+s10+$0x0] =	vst.idx.msk $0xffff, v15  }
0x15a: {  	vm13 =	vgt.s32 v26, $0x3F;
	vm8 =	vlt.s32 v26, $0x5;
	v18 =	vor.u32 $0x8, v3;
	v22 =	vld.idx.msk [tilespmem:v22+s9+$0x0], $0xffff  }
0x15b: {  	vm12 =	vgt.s32 v26, $0x1F;
	vm11 =	vgt.s32 v26, $0xF;
	v60 =	vor.u32 $0x4, v7;
	[tilespmem:v10+s10+$0x0] =	vst.idx.msk $0xffff, v20  }
0x15c: {  	v31 =	vor.u32 $0x4, v6;
	v28 =	vor.u32 $0x4, v2;
	v19 =	vor.u32 $0x3, v2;
	[tilespmem:v16+s10+$0x0] =	vst.idx.msk $0xffff, v12;
	v10 =	vld.idx.msk [tilespmem:v11+s9+$0x0], $0xffff  }
0x15d: {  	v13 =	vor.u32 $0x8, v8;
	v11 =	vnsel vm8, $0x5, v26;
	v12 =	vld.idx.msk [tilespmem:v17+s9+$0x0], $0xffff;
	[tilespmem:v21+s10+$0x0] =	vst.idx.msk $0xffff, v14;
	v14 =	vsel vm5, $0x1, v1  }
0x15e: {  	v15 =	vor.u32 $0x3, v4;
	v17 =	vsel vm11, $0x1, v1;
	v16 =	vld.idx.msk [tilespmem:v23+s9+$0x0], $0xffff;
	v11 =	vadd.s32 v14, v11  }
0x15f: {  	v59 =	vor.u32 $0x4, v4;
	v14 =	vsel vm12, $0x1, v1;
	[tilespmem:v18+s10+$0x0] =	vst.idx.msk $0xffff, v22;
	v11 =	vadd.s32 v17, v11  }
0x160: {  	v20 =	vsel vm13, $0x1, v1;
	v21 =	vnsel vm9, $0x5, v24;
	v18 =	vld.idx.msk [tilespmem:v29+s9+$0x0], $0xffff;
	v11 =	vadd.s32 v14, v11  }
0x161: {  	v17 =	vsel vm14, $0x1, v1;
	v14 =	vsel vm10, $0x1, v1;
	[tilespmem:v19+s10+$0x0] =	vst.idx.msk $0xffff, v10;
	v10 =	vadd.s32 v20, v11  }
0x162: {  	v19 =	vsel vm1, $0x1, v1;
	[tilespmem:v25+s10+$0x0] =	vst.idx.msk $0xffff, v12;
	v12 =	vadd.s32 v14, v21;
	v14 =	vld.idx.msk [tilespmem:v60+s9+$0x0], $0xffff;
	v11 =	vshll.u32 v10, $0x7  }
0x163: {  	v10 =	vadd.s32 v19, v12;
	v12 =	vld.idx.msk [tilespmem:v13+s9+$0x0], $0xffff;
	[tilespmem:v15+s10+$0x0] =	vst.idx.msk $0xffff, v16;
	v15 =	vor.u32 $0x5, v7;
	v16 =	vor.u32 $0x8, v9  }
0x164: {  	s15 =	simm.s32 $0x140;
	v13 =	vsel vm15, $0x1, v1;
	v10 =	vadd.s32 v17, v10;
	v17 =	vor.u32 $0x9, v8;
	v19 =	vld.idx.msk [tilespmem:v31+s9+$0x0], $0xffff  }
0x165: {  	v20 =	vmov s15;
	v21 =	vor.u32 $0x5, v6;
	v10 =	vadd.s32 v13, v10;
	[tilespmem:v30+s10+$0x0] =	vst.idx.msk $0xffff, v18  }
0x166: {  	v22 =	vor.u32 $0xA, v3;
	v18 =	vshll.u32 v20, $0x7;
	v13 =	vshll.u32 v10, $0x7;
	v20 =	vld.idx.msk [tilespmem:v27+s9+$0x0], $0xffff  }
0x167: {  	[tilespmem:v28+s10+$0x0] =	vst.idx.msk $0xffff, v14;
	v14 =	vor.u32 $0xB, v5;
	v10 =	vor.u32 v0, v18;
	v23 =	vld.idx.msk [tilespmem:v11+s9+$0x0], $0xffff  }
0x168: {  	v18 =	vor.u32 $0x5, v2;
	v15 =	vld.idx.msk [tilespmem:v15+s9+$0x0], $0xffff;
	[tilespmem:v16+s10+$0x0] =	vst.idx.msk $0xffff, v12  }
0x169: {  	v24 =	vor.u32 $0x9, v9;
	v12 =	vmov s30;
	[tilespmem:v59+s10+$0x0] =	vst.idx.msk $0xffff, v19;
	v17 =	vld.idx.msk [tilespmem:v17+s9+$0x0], $0xffff;
	v19 =	vor.u32 $0x6, v7  }
0x16a: {  	v25 =	vor.u32 $0x5, v4;
	v16 =	vor.u32 $0x1, v11;
	v12 =	vshll.u32 v12, $0x7;
	v21 =	vld.idx.msk [tilespmem:v21+s9+$0x0], $0xffff  }
0x16b: {  	v26 =	vor.u32 $0xA, v8;
	v28 =	vld.idx.msk [tilespmem:v13+s9+$0x0], $0xffff;
	v12 =	vor.u32 v0, v12;
	[tilespmem:v22+s10+$0x0] =	vst.idx.msk $0xffff, v20  }
0x16c: {  	s14 =	simm.s32 $0x170;
	v20 =	vor.u32 $0xB, v3;
	v22 =	vor.u32 $0x1, v13;
	v14 =	vld.idx.msk [tilespmem:v14+s9+$0x0], $0xffff;
	[tilespmem:v10+s10+$0x0] =	vst.idx.msk $0xffff, v23  }
0x16d: {  	v38 =	vld [tilespmem:s14+$0x0];
	v41 =	vor.u32 $0xE, v5;
	v27 =	vor.u32 $0x6, v6;
	[tilespmem:v18+s10+$0x0] =	vst.idx.msk $0xffff, v15  }
0x16e: {  	v61 =	vor.u32 $0xE, v8;
	v23 =	vor.u32 $0xC, v5;
	v18 =	vld.idx.msk [tilespmem:v19+s9+$0x0], $0xffff;
	[tilespmem:v24+s10+$0x0] =	vst.idx.msk $0xffff, v17;
	v19 =	vor.u32 $0x6, v2  }
0x16f: {  	v49 =	vor.u32 $0xD, v9;
	v29 =	vor.u32 $0x7, v7;
	v15 =	vld.idx.msk [tilespmem:v16+s9+$0x0], $0xffff;
	v16 =	vor.u32 $0x1, v10;
	[tilespmem:v25+s10+$0x0] =	vst.idx.msk $0xffff, v21  }
0x170: {  	v40 =	vor.u32 $0xC, v9;
	v17 =	vor.u32 $0x2, v11;
	v21 =	vld.idx.msk [tilespmem:v26+s9+$0x0], $0xffff;
	v25 =	vor.u32 $0xA, v9;
	[tilespmem:v12+s10+$0x0] =	vst.idx.msk $0xffff, v28  }
0x171: {  	v62 =	vor.u32 $0x8, v7;
	v28 =	vor.u32 $0xB, v8;
	[tilespmem:v20+s10+$0x0] =	vst.idx.msk $0xffff, v14;
	v14 =	vld.idx.msk [tilespmem:v22+s9+$0x0], $0xffff;
	v22 =	vor.u32 $0x1, v12  }
0x172: {  	v43 =	vor.u32 $0xA, v7;
	v31 =	vor.u32 $0x2, v13;
	v26 =	vld.idx.msk [tilespmem:v27+s9+$0x0], $0xffff;
	v27 =	vor.u32 $0x6, v4  }
0x173: {  	v42 =	vor.u32 $0x8, v6;
	v51 =	vor.u32 $0x7, v4;
	v24 =	vor.u32 $0xC, v3;
	v23 =	vld.idx.msk [tilespmem:v23+s9+$0x0], $0xffff;
	[tilespmem:v19+s10+$0x0] =	vst.idx.msk $0xffff, v18  }
0x174: {  	vm8 =	vgt.s32 v38, $0x3F;
	v20 =	vor.u32 $0xD, v5;
	[tilespmem:v16+s10+$0x0] =	vst.idx.msk $0xffff, v15;
	v16 =	vor.u32 $0x7, v2;
	v29 =	vld.idx.msk [tilespmem:v29+s9+$0x0], $0xffff  }
0x175: {  	vm9 =	vlt.s32 v38, $0x5;
	vm14 =	vgt.s32 v38, $0xF;
	v15 =	vor.u32 $0x2, v10;
	v17 =	vld.idx.msk [tilespmem:v17+s9+$0x0], $0xffff;
	[tilespmem:v25+s10+$0x0] =	vst.idx.msk $0xffff, v21  }
0x176: {  	vm10 =	vgt.s32 v38, $0x7;
	v63 =	vor.u32 $0x3, v11;
	v21 =	vor.u32 $0xB, v9;
	v28 =	vld.idx.msk [tilespmem:v28+s9+$0x0], $0xffff;
	[tilespmem:v22+s10+$0x0] =	vst.idx.msk $0xffff, v14  }
0x177: {  	vm15 =	vgt.s32 v38, $0x1F;
	v48 =	vor.u32 $0x2, v12;
	[tilespmem:v27+s10+$0x0] =	vst.idx.msk $0xffff, v26;
	v14 =	vor.u32 $0xC, v8;
	v31 =	vld.idx.msk [tilespmem:v31+s9+$0x0], $0xffff  }
0x178: {  	v52 =	vor.u32 $0x5, v11;
	v46 =	vor.u32 $0x4, v11;
	v50 =	vor.u32 $0x3, v13;
	[tilespmem:v24+s10+$0x0] =	vst.idx.msk $0xffff, v23;
	v23 =	vld [tilespmem:s14+$0xFFFFFFF0]  }
0x179: {  	v30 =	vor.u32 $0x7, v6;
	v53 =	vor.u32 $0x4, v13;
	v18 =	vor.u32 $0xD, v3;
	v20 =	vld.idx.msk [tilespmem:v20+s9+$0x0], $0xffff;
	[tilespmem:v16+s10+$0x0] =	vst.idx.msk $0xffff, v29  }
0x17a: {  	v45 =	vor.u32 $0x3, v10;
	v44 =	vor.u32 $0x4, v12;
	v24 =	vor.u32 $0x8, v2;
	[tilespmem:v15+s10+$0x0] =	vst.idx.msk $0xffff, v17;
	v15 =	vld.idx.msk [tilespmem:v62+s9+$0x0], $0xffff  }
0x17b: {  	v19 =	vor.u32 $0xE, v3;
	v25 =	vor.u32 $0xF, v5;
	v16 =	vor.u32 $0x9, v7;
	[tilespmem:v21+s10+$0x0] =	vst.idx.msk $0xffff, v28;
	v21 =	vld.idx.msk [tilespmem:v63+s9+$0x0], $0xffff  }
0x17c: {  	v27 =	vsel vm15, $0x1, v1;
	v22 =	vor.u32 $0xD, v8;
	v17 =	vor.u32 $0x3, v12;
	v14 =	vld.idx.msk [tilespmem:v14+s9+$0x0], $0xffff;
	[tilespmem:v48+s10+$0x0] =	vst.idx.msk $0xffff, v31  }
0x17d: {  	v29 =	vor.u32 $0x9, v2;
	v28 =	vor.u32 $0x4, v10;
	vm11 =	vlt.s32 v23, $0x5;
	v26 =	vld.idx.msk [tilespmem:v50+s9+$0x0], $0xffff  }
0x17e: {  	v30 =	vld.idx.msk [tilespmem:v30+s9+$0x0], $0xffff;
	vm12 =	vgt.s32 v23, $0x7;
	vm13 =	vgt.s32 v23, $0x1F;
	[tilespmem:v18+s10+$0x0] =	vst.idx.msk $0xffff, v20;
	v18 =	vsel vm14, $0x1, v1  }
0x17f: {  	v20 =	vnsel vm11, $0x5, v23;
	v54 =	vsel vm12, $0x1, v1;
	vm14 =	vgt.s32 v23, $0xF;
	v31 =	vld.idx.msk [tilespmem:v41+s9+$0x0], $0xffff;
	[tilespmem:v24+s10+$0x0] =	vst.idx.msk $0xffff, v15  }
0x180: {  	vm15 =	vgt.s32 v23, $0x3F;
	v15 =	vadd.s32 v54, v20;
	[tilespmem:v45+s10+$0x0] =	vst.idx.msk $0xffff, v21;
	v21 =	vld.idx.msk [tilespmem:v16+s9+$0x0], $0xffff;
	v16 =	vsel vm14, $0x1, v1  }
0x181: {  	v20 =	vsel vm10, $0x1, v1;
	v24 =	vsel vm13, $0x1, v1;
	v23 =	vld.idx.msk [tilespmem:v46+s9+$0x0], $0xffff;
	[tilespmem:v40+s10+$0x0] =	vst.idx.msk $0xffff, v14;
	v14 =	vadd.s32 v16, v15  }
0x182: {  	v15 =	vsel vm15, $0x1, v1;
	v16 =	vnsel vm9, $0x5, v38;
	v22 =	vld.idx.msk [tilespmem:v22+s9+$0x0], $0xffff;
	[tilespmem:v17+s10+$0x0] =	vst.idx.msk $0xffff, v26;
	v14 =	vadd.s32 v24, v14  }
0x183: {  	[tilespmem:v51+s10+$0x0] =	vst.idx.msk $0xffff, v30;
	v16 =	vadd.s32 v20, v16;
	v20 =	vld.idx.msk [tilespmem:v53+s9+$0x0], $0xffff;
	v14 =	vadd.s32 v15, v14  }
0x184: {  	v17 =	vsel vm8, $0x1, v1;
	v15 =	vadd.s32 v18, v16;
	[tilespmem:v19+s10+$0x0] =	vst.idx.msk $0xffff, v31;
	v16 =	vshll.u32 v14, $0x7;
	v14 =	vld.idx.msk [tilespmem:v42+s9+$0x0], $0xffff  }
0x185: {  	v18 =	vor.u32 $0x5, v13;
	v19 =	vor.u32 $0x8, v4;
	v15 =	vadd.s32 v27, v15;
	[tilespmem:v29+s10+$0x0] =	vst.idx.msk $0xffff, v21;
	v21 =	vld.idx.msk [tilespmem:v25+s9+$0x0], $0xffff  }
0x186: {  	v15 =	vadd.s32 v17, v15;
	[tilespmem:v28+s10+$0x0] =	vst.idx.msk $0xffff, v23;
	v23 =	vor.u32 $0x9, v6;
	v24 =	vld.idx.msk [tilespmem:v43+s9+$0x0], $0xffff  }
0x187: {  	v25 =	vor.u32 $0xA, v2;
	v17 =	vshll.u32 v15, $0x7;
	v15 =	vld.idx.msk [tilespmem:v52+s9+$0x0], $0xffff;
	[tilespmem:v49+s10+$0x0] =	vst.idx.msk $0xffff, v22  }
0x188: {  	v26 =	vor.u32 $0xB, v7;
	v22 =	vor.u32 $0x5, v10;
	v27 =	vld.idx.msk [tilespmem:v61+s9+$0x0], $0xffff  }
0x189: {  	s31 =	simm.s32 $0x160;
	v30 =	vor.u32 $0x6, v11;
	v31 =	vor.u32 $0xE, v9;
	[tilespmem:v44+s10+$0x0] =	vst.idx.msk $0xffff, v20;
	v28 =	vld.idx.msk [tilespmem:v16+s9+$0x0], $0xffff  }
0x18a: {  	v55 =	vor.u32 $0xF, v3;
	v20 =	vmov s31;
	v56 =	vld.idx.msk [tilespmem:v18+s9+$0x0], $0xffff;
	[tilespmem:v19+s10+$0x0] =	vst.idx.msk $0xffff, v14;
	v18 =	vor.u32 $0xF, v8  }
0x18b: {  	v14 =	vshll.u32 v20, $0x7;
	v19 =	vor.u32 $0x5, v12;
	v57 =	vld.idx.msk [tilespmem:v23+s9+$0x0], $0xffff;
	v23 =	vor.u32 $0x10, v5  }
0x18c: {  	v58 =	vor.u32 $0x6, v13;
	v14 =	vor.u32 v0, v14;
	v29 =	vld.idx.msk [tilespmem:v17+s9+$0x0], $0xffff;
	[tilespmem:v25+s10+$0x0] =	vst.idx.msk $0xffff, v24  }
0x18d: {  	v59 =	vor.u32 $0x9, v4;
	v24 =	vor.u32 $0x1, v16;
	[tilespmem:v22+s10+$0x0] =	vst.idx.msk $0xffff, v15;
	v26 =	vld.idx.msk [tilespmem:v26+s9+$0x0], $0xffff  }
0x18e: {  	v60 =	vor.u32 $0xA, v6;
	v61 =	vor.u32 $0xB, v2;
	v15 =	vmov s14;
	v30 =	vld.idx.msk [tilespmem:v30+s9+$0x0], $0xffff;
	[tilespmem:v31+s10+$0x0] =	vst.idx.msk $0xffff, v27  }
0x18f: {  	v62 =	vor.u32 $0x6, v10;
	v63 =	vor.u32 $0xC, v7;
	[tilespmem:v55+s10+$0x0] =	vst.idx.msk $0xffff, v21;
	v15 =	vshll.u32 v15, $0x7;
	v25 =	vld.idx.msk [tilespmem:v18+s9+$0x0], $0xffff  }
0x190: {  	v33 =	vor.u32 $0x10, v3;
	v32 =	vor.u32 $0x7, v11;
	v15 =	vor.u32 v0, v15;
	[tilespmem:v19+s10+$0x0] =	vst.idx.msk $0xffff, v56;
	v23 =	vld.idx.msk [tilespmem:v23+s9+$0x0], $0xffff  }
0x191: {  	v34 =	vor.u32 $0x6, v12;
	v35 =	vor.u32 $0x2, v16;
	v36 =	vor.u32 $0x1, v17;
	[tilespmem:v14+s10+$0x0] =	vst.idx.msk $0xffff, v28;
	v27 =	vld.idx.msk [tilespmem:v58+s9+$0x0], $0xffff  }
0x192: {  	v20 =	vor.u32 $0xC, v2;
	v31 =	vor.u32 $0xF, v9;
	[tilespmem:v59+s10+$0x0] =	vst.idx.msk $0xffff, v57;
	v28 =	vor.u32 $0x11, v5;
	v37 =	vld.idx.msk [tilespmem:v24+s9+$0x0], $0xffff  }
0x193: {  	v21 =	vor.u32 $0x7, v13;
	v38 =	vor.u32 $0x1, v14;
	v24 =	vld.idx.msk [tilespmem:v60+s9+$0x0], $0xffff;
	[tilespmem:v61+s10+$0x0] =	vst.idx.msk $0xffff, v26;
	v26 =	vor.u32 $0x10, v8  }
0x194: {  	s16 =	simm.s32 $0x190;
	s15 =	simm.s32 $0x16;
	v22 =	vor.u32 $0x7, v17;
	v18 =	vor.u32 $0xC, v12;
	v19 =	vor.u32 $0xC, v15;
	[tilespmem:v62+s10+$0x0] =	vst.idx.msk $0xffff, v30;
	v30 =	vld.idx.msk [tilespmem:v63+s9+$0x0], $0xffff  }
.LBB2_4:
0x195: {  	s17 =	sadd.s32 $0xFFFFFFF0, s16;
	s15 =	sadd.s32 $0x2, s15;
	[tilespmem:v15+s10+$0x0] =	vst.idx.msk $0xffff, v29;
	v29 =	vld.idx.msk [tilespmem:v32+s9+$0x0], $0xffff;
	v32 =	vor.u32 $0xB, v6  }
0x196: {  	v40 =	vor.u32 $0xA, v4;
	v41 =	vor.u32 $0xD, v7;
	v39 =	vmov s17;
	p0 =	slt.u32 s15, $0x1E;
	v36 =	vld.idx.msk [tilespmem:v36+s9+$0x0], $0xffff;
	[tilespmem:v33+s10+$0x0] =	vst.idx.msk $0xffff, v23  }
0x197: {  	v33 =	vor.u32 $0x1, v15;
	v23 =	vshll.u32 v39, $0x7;
	v39 =	vor.u32 $0x2, v17;
	[tilespmem:v31+s10+$0x0] =	vst.idx.msk $0xffff, v25;
	v28 =	vld.idx.msk [tilespmem:v28+s9+$0x0], $0xffff  }
0x198: {  	v25 =	vor.u32 $0x13, v8;
	[tilespmem:v38+s10+$0x0] =	vst.idx.msk $0xffff, v37;
	v31 =	vld.idx.msk [tilespmem:v26+s9+$0x0], $0xffff;
	v26 =	vor.u32 $0x12, v9;
	v37 =	vor.u32 $0x11, v3  }
0x199: {  	v38 =	vor.u32 $0x13, v5;
	v35 =	vld.idx.msk [tilespmem:v35+s9+$0x0], $0xffff;
	[tilespmem:v34+s10+$0x0] =	vst.idx.msk $0xffff, v27;
	v27 =	vor.u32 $0x10, v9;
	v34 =	vor.u32 $0x12, v5;
	v5 =	vmovc v7  }
0x19a: {  	v42 =	vor.u32 $0x2, v14;
	v43 =	vld.idx.msk [tilespmem:v21+s9+$0x0], $0xffff;
	[tilespmem:v20+s10+$0x0] =	vst.idx.msk $0xffff, v30;
	v20 =	vor.u32 $0x11, v8;
	v30 =	vor.u32 $0x12, v8;
	v8 =	vmovc v6  }
0x19b: {  	v44 =	vor.u32 $0x7, v12;
	v45 =	vor.u32 $0x12, v3;
	v6 =	vmovc v11;
	[tilespmem:v40+s10+$0x0] =	vst.idx.msk $0xffff, v24;
	v40 =	vld.idx.msk [tilespmem:v41+s9+$0x0], $0xffff;
	v41 =	vor.u32 $0x11, v9  }
0x19c: {  	s14 =	sadd.s32 $0x20, s14;
	v11 =	vmovc v16;
	v24 =	vor.u32 $0xE, v8;
	[tilespmem:v33+s10+$0x0] =	vst.idx.msk $0xffff, v36;
	v32 =	vld.idx.msk [tilespmem:v32+s9+$0x0], $0xffff;
	v33 =	vor.u32 $0xD, v2;
	v36 =	vor.u32 $0xE, v2  }
0x19d: {  	v46 =	vor.u32 $0xB, v4;
	v7 =	vmovc v13;
	v47 =	vor.u32 $0xF, v5;
	v16 =	vld.idx.msk [tilespmem:v39+s9+$0x0], $0xffff;
	v39 =	vor.u32 $0x8, v13;
	[tilespmem:v37+s10+$0x0] =	vst.idx.msk $0xffff, v28  }
0x19e: {  	v48 =	vor.u32 $0xD, v4;
	v28 =	vor.u32 $0x3, v11;
	v37 =	vor.u32 $0x2, v15;
	v13 =	vmovc v17;
	[tilespmem:v27+s10+$0x0] =	vst.idx.msk $0xffff, v31;
	v27 =	vld.idx.msk [tilespmem:v34+s9+$0x0], $0xffff  }
0x19f: {  	v21 =	vmovc v22;
	v17 =	vor.u32 $0x3, v13;
	v31 =	vor.u32 $0xC, v8;
	v34 =	vor.u32 $0xD, v8;
	[tilespmem:v42+s10+$0x0] =	vst.idx.msk $0xffff, v35;
	v35 =	vld.idx.msk [tilespmem:v20+s9+$0x0], $0xffff  }
0x1a0: {  	v42 =	vor.u32 $0x7, v10;
	v20 =	vmovc v18;
	v18 =	vmovc v19;
	v22 =	vld [tilespmem:s14+$0x0];
	[tilespmem:v44+s10+$0x0] =	vst.idx.msk $0xffff, v43;
	v43 =	vor.u32 $0xC, v4;
	v44 =	vor.u32 $0xE, v5  }
0x1a1: {  	v50 =	vor.u32 $0x8, v12;
	v51 =	vor.u32 $0xA, v7;
	v49 =	vor.u32 $0x8, v6;
	v19 =	vld [tilespmem:s14+$0xFFFFFFF0];
	[tilespmem:v33+s10+$0x0] =	vst.idx.msk $0xffff, v40  }
0x1a2: {  	v52 =	vor.u32 $0x9, v12;
	v33 =	vor.u32 $0x4, v15;
	v40 =	vor.u32 $0x9, v7;
	v39 =	vld.idx.msk [tilespmem:v39+s9+$0x0], $0xffff;
	[tilespmem:v46+s10+$0x0] =	vst.idx.msk $0xffff, v32  }
0x1a3: {  	v32 =	vor.u32 $0x3, v14;
	v46 =	vor.u32 $0x5, v11;
	v28 =	vld.idx.msk [tilespmem:v28+s9+$0x0], $0xffff;
	[tilespmem:v37+s10+$0x0] =	vst.idx.msk $0xffff, v16;
	v16 =	vor.u32 $0x3, v15  }
0x1a4: {  	v53 =	vor.u32 $0x4, v14;
	v54 =	vor.u32 $0x4, v13;
	v37 =	vor.u32 $0x4, v11;
	v31 =	vld.idx.msk [tilespmem:v31+s9+$0x0], $0xffff;
	[tilespmem:v45+s10+$0x0] =	vst.idx.msk $0xffff, v27  }
0x1a5: {  	vm1 =	vgt.s32 v22, $0xF;
	vm2 =	vgt.s32 v22, $0x1F;
	vm0 =	vgt.s32 v22, $0x3F;
	v17 =	vld.idx.msk [tilespmem:v17+s9+$0x0], $0xffff;
	[tilespmem:v41+s10+$0x0] =	vst.idx.msk $0xffff, v35  }
0x1a6: {  	vm3 =	vlt.s32 v22, $0x5;
	vm4 =	vgt.s32 v22, $0x7;
	v27 =	vsel vm2, $0x1, v1;
	v30 =	vld.idx.msk [tilespmem:v30+s9+$0x0], $0xffff  }
0x1a7: {  	vm2 =	vlt.s32 v19, $0x5;
	vm5 =	vgt.s32 v19, $0x7;
	v35 =	vsel vm1, $0x1, v1;
	[tilespmem:v42+s10+$0x0] =	vst.idx.msk $0xffff, v29;
	v29 =	vld.idx.msk [tilespmem:v44+s9+$0x0], $0xffff  }
0x1a8: {  	vm1 =	vgt.s32 v19, $0x1F;
	v41 =	vnsel vm2, $0x5, v19;
	v42 =	vsel vm5, $0x1, v1;
	[tilespmem:v50+s10+$0x0] =	vst.idx.msk $0xffff, v39;
	v38 =	vld.idx.msk [tilespmem:v38+s9+$0x0], $0xffff  }
0x1a9: {  	vm2 =	vgt.s32 v19, $0xF;
	v39 =	vadd.s32 v42, v41;
	v41 =	vsel vm4, $0x1, v1;
	[tilespmem:v32+s10+$0x0] =	vst.idx.msk $0xffff, v28;
	v28 =	vld.idx.msk [tilespmem:v40+s9+$0x0], $0xffff  }
0x1aa: {  	v32 =	vsel vm2, $0x1, v1;
	v40 =	vsel vm1, $0x1, v1;
	vm1 =	vgt.s32 v19, $0x3F;
	v19 =	vld.idx.msk [tilespmem:v37+s9+$0x0], $0xffff;
	[tilespmem:v43+s10+$0x0] =	vst.idx.msk $0xffff, v31  }
0x1ab: {  	v22 =	vnsel vm3, $0x5, v22;
	v31 =	vadd.s32 v32, v39;
	v32 =	vsel vm1, $0x1, v1;
	[tilespmem:v16+s10+$0x0] =	vst.idx.msk $0xffff, v17;
	v34 =	vld.idx.msk [tilespmem:v34+s9+$0x0], $0xffff  }
0x1ac: {  	v16 =	vadd.s32 v40, v31;
	v17 =	vadd.s32 v41, v22;
	v31 =	vld.idx.msk [tilespmem:v54+s9+$0x0], $0xffff;
	[tilespmem:v26+s10+$0x0] =	vst.idx.msk $0xffff, v30  }
0x1ad: {  	v22 =	vsel vm0, $0x1, v1;
	v16 =	vadd.s32 v32, v16;
	v17 =	vadd.s32 v35, v17;
	v25 =	vld.idx.msk [tilespmem:v25+s9+$0x0], $0xffff  }
0x1ae: {  	v16 =	vshll.u32 v16, $0x7;
	v17 =	vadd.s32 v27, v17;
	v27 =	vor.u32 $0x13, v9;
	v26 =	vld.idx.msk [tilespmem:v49+s9+$0x0], $0xffff;
	[tilespmem:v36+s10+$0x0] =	vst.idx.msk $0xffff, v29  }
0x1af: {  	v30 =	vor.u32 $0x8, v10;
	v22 =	vadd.s32 v22, v17;
	v29 =	vor.u32 $0x5, v13;
	[tilespmem:v52+s10+$0x0] =	vst.idx.msk $0xffff, v28;
	v28 =	vld.idx.msk [tilespmem:v47+s9+$0x0], $0xffff  }
0x1b0: {  	v35 =	vor.u32 $0xF, v2;
	v9 =	vmovc v4;
	v17 =	vshll.u32 v22, $0x7;
	[tilespmem:v53+s10+$0x0] =	vst.idx.msk $0xffff, v19;
	v19 =	vor.u32 $0x9, v6;
	v32 =	vld.idx.msk [tilespmem:v51+s9+$0x0], $0xffff  }
0x1b1: {  	v37 =	vor.u32 $0xA, v12;
	v4 =	vmovc v10;
	v10 =	vmov v14;
	v22 =	vor.u32 $0x7, v17;
	v36 =	vld.idx.msk [tilespmem:v46+s9+$0x0], $0xffff;
	[tilespmem:v48+s10+$0x0] =	vst.idx.msk $0xffff, v34  }
0x1b2: {  	v34 =	vor.u32 $0x5, v10;
	[tilespmem:v33+s10+$0x0] =	vst.idx.msk $0xffff, v31;
	v31 =	vor.u32 $0xB, v7;
	v24 =	vld.idx.msk [tilespmem:v24+s9+$0x0], $0xffff  }
0x1b3: {  	v39 =	vor.u32 $0x6, v11;
	v40 =	vor.u32 $0xE, v9;
	v33 =	vld.idx.msk [tilespmem:v16+s9+$0x0], $0xffff;
	[tilespmem:v27+s10+$0x0] =	vst.idx.msk $0xffff, v25  }
0x1b4: {  	v14 =	vor.u32 v0, v23;
	v25 =	vor.u32 $0xF, v8;
	v23 =	vld.idx.msk [tilespmem:v29+s9+$0x0], $0xffff;
	[tilespmem:v30+s10+$0x0] =	vst.idx.msk $0xffff, v26  }
0x1b5: {  	v27 =	vor.u32 $0x5, v15;
	v26 =	vor.u32 $0x1, v16;
	v30 =	vld.idx.msk [tilespmem:v19+s9+$0x0], $0xffff;
	[tilespmem:v35+s10+$0x0] =	vst.idx.msk $0xffff, v28;
	v19 =	vor.u32 $0x10, v5  }
0x1b6: {  	v41 =	vor.u32 $0x13, v3;
	v3 =	vmovc v2;
	v28 =	vor.u32 $0x6, v13;
	v35 =	vor.u32 $0x9, v4;
	v29 =	vld.idx.msk [tilespmem:v17+s9+$0x0], $0xffff;
	[tilespmem:v37+s10+$0x0] =	vst.idx.msk $0xffff, v32  }
0x1b7: {  	v2 =	vmov v12;
	v12 =	vmov v15;
	[tilespmem:v34+s10+$0x0] =	vst.idx.msk $0xffff, v36;
	v34 =	vld.idx.msk [tilespmem:v31+s9+$0x0], $0xffff  }
0x1b8: {  	v42 =	vor.u32 $0xA, v6;
	v43 =	vor.u32 $0xB, v2;
	v15 =	vmov s16;
	v39 =	vld.idx.msk [tilespmem:v39+s9+$0x0], $0xffff;
	[tilespmem:v40+s10+$0x0] =	vst.idx.msk $0xffff, v24  }
0x1b9: {  	v44 =	vor.u32 $0xC, v7;
	v15 =	vshll.u32 v15, $0x7;
	v40 =	vor.u32 $0x6, v10;
	[tilespmem:v14+s10+$0x0] =	vst.idx.msk $0xffff, v33;
	v25 =	vld.idx.msk [tilespmem:v25+s9+$0x0], $0xffff  }
.Ltmp1:
0x1ba: {  	v15 =	vor.u32 v0, v15;
	v32 =	vor.u32 $0x7, v11;
	v36 =	vor.u32 $0x1, v17;
	[tilespmem:v27+s10+$0x0] =	vst.idx.msk $0xffff, v23;
	v23 =	vld.idx.msk [tilespmem:v19+s9+$0x0], $0xffff;
	(pc) =	sbr.rel @p0 .LBB2_4-.Ltmp1, $4  }
0x1bb: {  	v33 =	vor.u32 $0x10, v3;
	v19 =	vor.u32 $0xC, v15;
	v27 =	vld.idx.msk [tilespmem:v28+s9+$0x0], $0xffff;
	[tilespmem:v35+s10+$0x0] =	vst.idx.msk $0xffff, v30  }
0x1bc: {  	v31 =	vor.u32 $0xF, v9;
	v35 =	vor.u32 $0x2, v16;
	v28 =	vor.u32 $0x11, v5;
	v37 =	vld.idx.msk [tilespmem:v26+s9+$0x0], $0xffff;
	[tilespmem:v41+s10+$0x0] =	vst.idx.msk $0xffff, v38  }
0x1bd: {  	v38 =	vor.u32 $0x1, v14;
	v26 =	vor.u32 $0x10, v8;
	v24 =	vld.idx.msk [tilespmem:v42+s9+$0x0], $0xffff;
	[tilespmem:v43+s10+$0x0] =	vst.idx.msk $0xffff, v34  }
0x1be: {  	s16 =	sadd.s32 $0x20, s16;
	v34 =	vor.u32 $0x6, v12;
	[tilespmem:v40+s10+$0x0] =	vst.idx.msk $0xffff, v39;
	v30 =	vld.idx.msk [tilespmem:v44+s9+$0x0], $0xffff  }
0x1bf: {  	_ =	sdelay $0x3  }
0x1c0: {  	[tilespmem:v15+s10+$0x0] =	vst.idx.msk $0xffff, v29  }
0x1c1: {  	v61 =	vor.u32 $0x1, v15;
	v29 =	vld.idx.msk [tilespmem:v36+s9+$0x0], $0xffff  }
0x1c2: {  	v39 =	vor.u32 $0x2, v17;
	_ =	sdelay $0x2  }
0x1c3: {  	[tilespmem:v38+s10+$0x0] =	vst.idx.msk $0xffff, v37  }
0x1c4: {  	v62 =	vor.u32 $0x2, v14;
	v35 =	vld.idx.msk [tilespmem:v35+s9+$0x0], $0xffff;
	[tilespmem:v61+s10+$0x0] =	vst.idx.msk $0xffff, v29  }
0x1c5: {  	v63 =	vor.u32 $0x3, v16;
	v42 =	vor.u32 $0x2, v15;
	v29 =	vld.idx.msk [tilespmem:v39+s9+$0x0], $0xffff  }
0x1c6: {  	v43 =	vor.u32 $0x3, v17;
	_ =	sdelay $0x2  }
0x1c7: {  	[tilespmem:v62+s10+$0x0] =	vst.idx.msk $0xffff, v35  }
0x1c8: {  	v44 =	vor.u32 $0x3, v14;
	v35 =	vld.idx.msk [tilespmem:v63+s9+$0x0], $0xffff;
	[tilespmem:v42+s10+$0x0] =	vst.idx.msk $0xffff, v29  }
0x1c9: {  	v45 =	vor.u32 $0x3, v15;
	v46 =	vor.u32 $0x4, v16;
	v38 =	vld.idx.msk [tilespmem:v43+s9+$0x0], $0xffff  }
0x1ca: {  	v47 =	vor.u32 $0x4, v17;
	_ =	sdelay $0x2  }
0x1cb: {  	[tilespmem:v44+s10+$0x0] =	vst.idx.msk $0xffff, v35  }
0x1cc: {  	v48 =	vor.u32 $0x4, v14;
	v36 =	vld.idx.msk [tilespmem:v46+s9+$0x0], $0xffff;
	[tilespmem:v45+s10+$0x0] =	vst.idx.msk $0xffff, v38  }
0x1cd: {  	v49 =	vor.u32 $0x4, v15;
	v50 =	vor.u32 $0x5, v16;
	v38 =	vld.idx.msk [tilespmem:v47+s9+$0x0], $0xffff  }
0x1ce: {  	v51 =	vor.u32 $0x5, v17;
	_ =	sdelay $0x2  }
0x1cf: {  	[tilespmem:v48+s10+$0x0] =	vst.idx.msk $0xffff, v36  }
0x1d0: {  	v52 =	vor.u32 $0x5, v14;
	v35 =	vld.idx.msk [tilespmem:v50+s9+$0x0], $0xffff;
	[tilespmem:v49+s10+$0x0] =	vst.idx.msk $0xffff, v38  }
0x1d1: {  	v53 =	vor.u32 $0x6, v16;
	v55 =	vor.u32 $0x5, v15;
	v54 =	vld.idx.msk [tilespmem:v51+s9+$0x0], $0xffff  }
0x1d2: {  	v56 =	vor.u32 $0x6, v17;
	_ =	sdelay $0x2  }
0x1d3: {  	[tilespmem:v52+s10+$0x0] =	vst.idx.msk $0xffff, v35  }
0x1d4: {  	v57 =	vor.u32 $0x6, v14;
	v29 =	vld.idx.msk [tilespmem:v53+s9+$0x0], $0xffff;
	[tilespmem:v55+s10+$0x0] =	vst.idx.msk $0xffff, v54  }
0x1d5: {  	v58 =	vor.u32 $0x7, v16;
	v59 =	vor.u32 $0x6, v15;
	v37 =	vld.idx.msk [tilespmem:v56+s9+$0x0], $0xffff  }
0x1d6: {  	[tilespmem:v33+s10+$0x0] =	vst.idx.msk $0xffff, v23  }
0x1d7: {  	v60 =	vld.idx.msk [tilespmem:v32+s9+$0x0], $0xffff;
	[tilespmem:v34+s10+$0x0] =	vst.idx.msk $0xffff, v27;
	v61 =	vor.u32 $0x7, v10  }
0x1d8: {  	[tilespmem:v31+s10+$0x0] =	vst.idx.msk $0xffff, v25;
	v21 =	vld.idx.msk [tilespmem:v21+s9+$0x0], $0xffff;
	v62 =	vor.u32 $0x7, v12;
	v63 =	vor.u32 $0x8, v11  }
0x1d9: {  	v40 =	vor.u32 $0x8, v13;
	v45 =	vor.u32 $0xA, v4;
	[tilespmem:v57+s10+$0x0] =	vst.idx.msk $0xffff, v29  }
0x1da: {  	v42 =	vor.u32 $0x7, v14;
	v48 =	vor.u32 $0xD, v7;
	v41 =	vld.idx.msk [tilespmem:v58+s9+$0x0], $0xffff;
	[tilespmem:v59+s10+$0x0] =	vst.idx.msk $0xffff, v37  }
0x1db: {  	[tilespmem:v20+s10+$0x0] =	vst.idx.msk $0xffff, v30;
	v43 =	vor.u32 $0x7, v15;
	v44 =	vor.u32 $0x8, v16;
	v22 =	vld.idx.msk [tilespmem:v22+s9+$0x0], $0xffff  }
0x1dc: {  	v28 =	vld.idx.msk [tilespmem:v28+s9+$0x0], $0xffff;
	[tilespmem:v61+s10+$0x0] =	vst.idx.msk $0xffff, v60;
	v46 =	vor.u32 $0x8, v17;
	v47 =	vor.u32 $0x11, v3  }
0x1dd: {  	v60 =	vor.u32 $0xB, v6;
	[tilespmem:v62+s10+$0x0] =	vst.idx.msk $0xffff, v21;
	v50 =	vor.u32 $0x8, v10;
	v49 =	vld.idx.msk [tilespmem:v63+s9+$0x0], $0xffff  }
0x1de: {  	[tilespmem:v45+s10+$0x0] =	vst.idx.msk $0xffff, v24;
	v51 =	vor.u32 $0x8, v12;
	v52 =	vor.u32 $0x9, v11;
	v29 =	vld.idx.msk [tilespmem:v40+s9+$0x0], $0xffff  }
0x1df: {  	v61 =	vor.u32 $0xD, v2;
	v23 =	vld.idx.msk [tilespmem:v48+s9+$0x0], $0xffff;
	v53 =	vor.u32 $0x9, v13;
	[tilespmem:v42+s10+$0x0] =	vst.idx.msk $0xffff, v41  }
0x1e0: {  	v55 =	vor.u32 $0x8, v14;
	v54 =	vld.idx.msk [tilespmem:v44+s9+$0x0], $0xffff;
	[tilespmem:v43+s10+$0x0] =	vst.idx.msk $0xffff, v22  }
0x1e1: {  	[tilespmem:v47+s10+$0x0] =	vst.idx.msk $0xffff, v28;
	v56 =	vor.u32 $0x8, v15;
	v57 =	vor.u32 $0x9, v16;
	v20 =	vld.idx.msk [tilespmem:v46+s9+$0x0], $0xffff  }
0x1e2: {  	v30 =	vld.idx.msk [tilespmem:v60+s9+$0x0], $0xffff;
	[tilespmem:v50+s10+$0x0] =	vst.idx.msk $0xffff, v49;
	v49 =	vor.u32 $0xB, v4;
	v59 =	vor.u32 $0x9, v17  }
0x1e3: {  	v62 =	vor.u32 $0x12, v5;
	v63 =	vor.u32 $0x9, v10;
	v27 =	vld.idx.msk [tilespmem:v52+s9+$0x0], $0xffff;
	[tilespmem:v51+s10+$0x0] =	vst.idx.msk $0xffff, v29  }
0x1e4: {  	[tilespmem:v61+s10+$0x0] =	vst.idx.msk $0xffff, v23;
	v40 =	vor.u32 $0x9, v12;
	v41 =	vld.idx.msk [tilespmem:v53+s9+$0x0], $0xffff;
	v42 =	vor.u32 $0xA, v11  }
0x1e5: {  	v26 =	vld.idx.msk [tilespmem:v26+s9+$0x0], $0xffff;
	v58 =	vor.u32 $0x10, v9;
	v43 =	vor.u32 $0xA, v13;
	[tilespmem:v55+s10+$0x0] =	vst.idx.msk $0xffff, v54  }
0x1e6: {  	v45 =	vor.u32 $0x9, v14;
	v51 =	vor.u32 $0x11, v8;
	v44 =	vld.idx.msk [tilespmem:v57+s9+$0x0], $0xffff;
	[tilespmem:v56+s10+$0x0] =	vst.idx.msk $0xffff, v20  }
0x1e7: {  	v48 =	vor.u32 $0xA, v16;
	[tilespmem:v49+s10+$0x0] =	vst.idx.msk $0xffff, v30;
	v46 =	vor.u32 $0x9, v15;
	v47 =	vld.idx.msk [tilespmem:v59+s9+$0x0], $0xffff  }
0x1e8: {  	v21 =	vld.idx.msk [tilespmem:v62+s9+$0x0], $0xffff;
	v50 =	vor.u32 $0xA, v17;
	v52 =	vor.u32 $0x12, v3;
	[tilespmem:v63+s10+$0x0] =	vst.idx.msk $0xffff, v27  }
0x1e9: {  	v53 =	vor.u32 $0xC, v6;
	[tilespmem:v40+s10+$0x0] =	vst.idx.msk $0xffff, v41;
	v29 =	vld.idx.msk [tilespmem:v42+s9+$0x0], $0xffff;
	v54 =	vor.u32 $0xA, v10  }
0x1ea: {  	[tilespmem:v58+s10+$0x0] =	vst.idx.msk $0xffff, v26;
	v55 =	vor.u32 $0xA, v12;
	v22 =	vld.idx.msk [tilespmem:v43+s9+$0x0], $0xffff;
	v56 =	vor.u32 $0xB, v11  }
0x1eb: {  	v61 =	vor.u32 $0x11, v9;
	v62 =	vld.idx.msk [tilespmem:v51+s9+$0x0], $0xffff;
	v57 =	vor.u32 $0xB, v13;
	[tilespmem:v45+s10+$0x0] =	vst.idx.msk $0xffff, v44  }
0x1ec: {  	v58 =	vor.u32 $0xA, v14;
	v40 =	vor.u32 $0x12, v8;
	v24 =	vld.idx.msk [tilespmem:v48+s9+$0x0], $0xffff;
	[tilespmem:v46+s10+$0x0] =	vst.idx.msk $0xffff, v47  }
0x1ed: {  	v60 =	vor.u32 $0xB, v16;
	[tilespmem:v52+s10+$0x0] =	vst.idx.msk $0xffff, v21;
	v59 =	vor.u32 $0xA, v15;
	v23 =	vld.idx.msk [tilespmem:v50+s9+$0x0], $0xffff  }
0x1ee: {  	v63 =	vor.u32 $0xB, v17;
	v41 =	vor.u32 $0xC, v4;
	v27 =	vld.idx.msk [tilespmem:v53+s9+$0x0], $0xffff;
	[tilespmem:v54+s10+$0x0] =	vst.idx.msk $0xffff, v29  }
0x1ef: {  	v42 =	vor.u32 $0xE, v7;
	v44 =	vor.u32 $0xB, v10;
	[tilespmem:v55+s10+$0x0] =	vst.idx.msk $0xffff, v22;
	v43 =	vld.idx.msk [tilespmem:v56+s9+$0x0], $0xffff  }
0x1f0: {  	[tilespmem:v61+s10+$0x0] =	vst.idx.msk $0xffff, v62;
	v45 =	vor.u32 $0xB, v12;
	v20 =	vld.idx.msk [tilespmem:v57+s9+$0x0], $0xffff;
	v46 =	vor.u32 $0xC, v11  }
0x1f1: {  	v52 =	vor.u32 $0x12, v9;
	v31 =	vld.idx.msk [tilespmem:v40+s9+$0x0], $0xffff;
	v47 =	vor.u32 $0xC, v13;
	[tilespmem:v58+s10+$0x0] =	vst.idx.msk $0xffff, v24  }
0x1f2: {  	v49 =	vor.u32 $0xB, v14;
	v56 =	vor.u32 $0x13, v8;
	v48 =	vld.idx.msk [tilespmem:v60+s9+$0x0], $0xffff;
	[tilespmem:v59+s10+$0x0] =	vst.idx.msk $0xffff, v23  }
0x1f3: {  	v51 =	vor.u32 $0xC, v16;
	[tilespmem:v41+s10+$0x0] =	vst.idx.msk $0xffff, v27;
	v50 =	vor.u32 $0xB, v15;
	v21 =	vld.idx.msk [tilespmem:v63+s9+$0x0], $0xffff  }
0x1f4: {  	v53 =	vor.u32 $0xC, v17;
	v54 =	vor.u32 $0xE, v2;
	v29 =	vld.idx.msk [tilespmem:v42+s9+$0x0], $0xffff;
	[tilespmem:v44+s10+$0x0] =	vst.idx.msk $0xffff, v43  }
0x1f5: {  	v55 =	vor.u32 $0xD, v6;
	v57 =	vor.u32 $0xC, v10;
	[tilespmem:v45+s10+$0x0] =	vst.idx.msk $0xffff, v20;
	v22 =	vld.idx.msk [tilespmem:v46+s9+$0x0], $0xffff  }
0x1f6: {  	[tilespmem:v52+s10+$0x0] =	vst.idx.msk $0xffff, v31;
	v58 =	vor.u32 $0xD, v11;
	v24 =	vld.idx.msk [tilespmem:v47+s9+$0x0], $0xffff  }
0x1f7: {  	v38 =	vor.u32 $0x13, v9;
	v8 =	vld.idx.msk [tilespmem:v56+s9+$0x0], $0xffff;
	v59 =	vor.u32 $0xD, v13;
	[tilespmem:v49+s10+$0x0] =	vst.idx.msk $0xffff, v48  }
0x1f8: {  	v39 =	vor.u32 $0xF, v7;
	v60 =	vor.u32 $0xC, v14;
	v25 =	vld.idx.msk [tilespmem:v51+s9+$0x0], $0xffff;
	[tilespmem:v50+s10+$0x0] =	vst.idx.msk $0xffff, v21  }
0x1f9: {  	v61 =	vor.u32 $0xD, v16;
	[tilespmem:v54+s10+$0x0] =	vst.idx.msk $0xffff, v29;
	v26 =	vld.idx.msk [tilespmem:v53+s9+$0x0], $0xffff  }
0x1fa: {  	v36 =	vor.u32 $0xD, v17;
	v62 =	vor.u32 $0xD, v4;
	v63 =	vld.idx.msk [tilespmem:v55+s9+$0x0], $0xffff;
	[tilespmem:v57+s10+$0x0] =	vst.idx.msk $0xffff, v22  }
0x1fb: {  	v37 =	vor.u32 $0xE, v6;
	v40 =	vor.u32 $0xD, v10;
	[tilespmem:v18+s10+$0x0] =	vst.idx.msk $0xffff, v24;
	v22 =	vld.idx.msk [tilespmem:v58+s9+$0x0], $0xffff  }
0x1fc: {  	v41 =	vor.u32 $0xE, v11;
	v42 =	vor.u32 $0xD, v12;
	[tilespmem:v38+s10+$0x0] =	vst.idx.msk $0xffff, v8;
	v23 =	vld.idx.msk [tilespmem:v59+s9+$0x0], $0xffff  }
0x1fd: {  	v43 =	vor.u32 $0xE, v13;
	v51 =	vor.u32 $0xF, v2;
	v50 =	vld.idx.msk [tilespmem:v39+s9+$0x0], $0xffff;
	[tilespmem:v60+s10+$0x0] =	vst.idx.msk $0xffff, v25  }
0x1fe: {  	v44 =	vor.u32 $0xD, v14;
	v53 =	vor.u32 $0x13, v5;
	v25 =	vld.idx.msk [tilespmem:v61+s9+$0x0], $0xffff;
	[tilespmem:v19+s10+$0x0] =	vst.idx.msk $0xffff, v26  }
0x1ff: {  	v45 =	vor.u32 $0xE, v16;
	v46 =	vor.u32 $0xD, v15;
	[tilespmem:v62+s10+$0x0] =	vst.idx.msk $0xffff, v63;
	v26 =	vld.idx.msk [tilespmem:v36+s9+$0x0], $0xffff  }
0x200: {  	v48 =	vor.u32 $0xE, v4;
	v49 =	vor.u32 $0xE, v17;
	v47 =	vld.idx.msk [tilespmem:v37+s9+$0x0], $0xffff;
	[tilespmem:v40+s10+$0x0] =	vst.idx.msk $0xffff, v22  }
0x201: {  	v52 =	vor.u32 $0xF, v6;
	v54 =	vor.u32 $0xE, v10;
	[tilespmem:v42+s10+$0x0] =	vst.idx.msk $0xffff, v23;
	v18 =	vld.idx.msk [tilespmem:v41+s9+$0x0], $0xffff  }
0x202: {  	v34 =	vor.u32 $0x10, v7;
	v55 =	vor.u32 $0xE, v12;
	v21 =	vld.idx.msk [tilespmem:v43+s9+$0x0], $0xffff;
	[tilespmem:v51+s10+$0x0] =	vst.idx.msk $0xffff, v50  }
0x203: {  	v3 =	vor.u32 $0x13, v3;
	v56 =	vor.u32 $0xF, v11;
	v5 =	vld.idx.msk [tilespmem:v53+s9+$0x0], $0xffff;
	[tilespmem:v44+s10+$0x0] =	vst.idx.msk $0xffff, v25  }
0x204: {  	v57 =	vor.u32 $0xF, v13;
	v58 =	vor.u32 $0xE, v14;
	v25 =	vld.idx.msk [tilespmem:v45+s9+$0x0], $0xffff;
	[tilespmem:v46+s10+$0x0] =	vst.idx.msk $0xffff, v26  }
0x205: {  	v59 =	vor.u32 $0xE, v15;
	v60 =	vor.u32 $0xF, v16;
	[tilespmem:v48+s10+$0x0] =	vst.idx.msk $0xffff, v47;
	v8 =	vld.idx.msk [tilespmem:v49+s9+$0x0], $0xffff  }
0x206: {  	v62 =	vor.u32 $0xF, v4;
	v63 =	vor.u32 $0xF, v17;
	v61 =	vld.idx.msk [tilespmem:v52+s9+$0x0], $0xffff;
	[tilespmem:v54+s10+$0x0] =	vst.idx.msk $0xffff, v18  }
0x207: {  	v33 =	vor.u32 $0x10, v6;
	v47 =	vor.u32 $0x10, v2;
	[tilespmem:v55+s10+$0x0] =	vst.idx.msk $0xffff, v21;
	v18 =	vld.idx.msk [tilespmem:v34+s9+$0x0], $0xffff  }
0x208: {  	v36 =	vor.u32 $0xF, v10;
	v35 =	vld.idx.msk [tilespmem:v56+s9+$0x0], $0xffff;
	[tilespmem:v3+s10+$0x0] =	vst.idx.msk $0xffff, v5  }
0x209: {  	v38 =	vor.u32 $0x10, v11;
	v37 =	vor.u32 $0xF, v12;
	v19 =	vld.idx.msk [tilespmem:v57+s9+$0x0], $0xffff;
	[tilespmem:v58+s10+$0x0] =	vst.idx.msk $0xffff, v25  }
0x20a: {  	v39 =	vor.u32 $0x10, v13;
	v41 =	vor.u32 $0xF, v14;
	v40 =	vld.idx.msk [tilespmem:v60+s9+$0x0], $0xffff;
	[tilespmem:v59+s10+$0x0] =	vst.idx.msk $0xffff, v8  }
0x20b: {  	v43 =	vor.u32 $0xF, v15;
	v44 =	vor.u32 $0x10, v16;
	[tilespmem:v62+s10+$0x0] =	vst.idx.msk $0xffff, v61;
	v42 =	vld.idx.msk [tilespmem:v63+s9+$0x0], $0xffff  }
0x20c: {  	v45 =	vor.u32 $0x10, v4;
	v46 =	vor.u32 $0x10, v17;
	v3 =	vld.idx.msk [tilespmem:v33+s9+$0x0], $0xffff;
	[tilespmem:v47+s10+$0x0] =	vst.idx.msk $0xffff, v18  }
0x20d: {  	v49 =	vor.u32 $0x11, v7;
	[tilespmem:v36+s10+$0x0] =	vst.idx.msk $0xffff, v35  }
0x20e: {  	v51 =	vor.u32 $0x10, v10;
	v48 =	vor.u32 $0x11, v6;
	[tilespmem:v37+s10+$0x0] =	vst.idx.msk $0xffff, v19;
	v50 =	vld.idx.msk [tilespmem:v38+s9+$0x0], $0xffff  }
0x20f: {  	v53 =	vor.u32 $0x11, v11;
	v52 =	vor.u32 $0x10, v12;
	v23 =	vld.idx.msk [tilespmem:v39+s9+$0x0], $0xffff;
	[tilespmem:v41+s10+$0x0] =	vst.idx.msk $0xffff, v40  }
0x210: {  	v54 =	vor.u32 $0x11, v13;
	v56 =	vor.u32 $0x10, v14;
	v55 =	vld.idx.msk [tilespmem:v44+s9+$0x0], $0xffff;
	[tilespmem:v43+s10+$0x0] =	vst.idx.msk $0xffff, v42  }
0x211: {  	v57 =	vor.u32 $0x10, v15;
	v58 =	vor.u32 $0x11, v16;
	[tilespmem:v45+s10+$0x0] =	vst.idx.msk $0xffff, v3;
	v3 =	vld.idx.msk [tilespmem:v46+s9+$0x0], $0xffff  }
0x212: {  	v61 =	vor.u32 $0x11, v17;
	v62 =	vor.u32 $0x11, v2;
	v21 =	vld.idx.msk [tilespmem:v49+s9+$0x0], $0xffff  }
0x213: {  	v33 =	vor.u32 $0x12, v7;
	v59 =	vor.u32 $0x11, v4;
	v60 =	vld.idx.msk [tilespmem:v48+s9+$0x0], $0xffff;
	[tilespmem:v51+s10+$0x0] =	vst.idx.msk $0xffff, v50  }
0x214: {  	v34 =	vor.u32 $0x11, v10;
	v63 =	vor.u32 $0x12, v6;
	[tilespmem:v52+s10+$0x0] =	vst.idx.msk $0xffff, v23;
	v35 =	vld.idx.msk [tilespmem:v53+s9+$0x0], $0xffff  }
0x215: {  	v36 =	vor.u32 $0x11, v12;
	v37 =	vor.u32 $0x12, v11;
	v8 =	vld.idx.msk [tilespmem:v54+s9+$0x0], $0xffff;
	[tilespmem:v56+s10+$0x0] =	vst.idx.msk $0xffff, v55  }
0x216: {  	v38 =	vor.u32 $0x12, v13;
	v39 =	vld.idx.msk [tilespmem:v58+s9+$0x0], $0xffff;
	[tilespmem:v57+s10+$0x0] =	vst.idx.msk $0xffff, v3;
	v3 =	vor.u32 $0x11, v14  }
0x217: {  	v41 =	vor.u32 $0x11, v15;
	[tilespmem:v62+s10+$0x0] =	vst.idx.msk $0xffff, v21;
	v42 =	vor.u32 $0x12, v16;
	v40 =	vld.idx.msk [tilespmem:v61+s9+$0x0], $0xffff  }
0x218: {  	v47 =	vor.u32 $0x12, v2;
	v45 =	vor.u32 $0x12, v17;
	[tilespmem:v59+s10+$0x0] =	vst.idx.msk $0xffff, v60;
	v19 =	vld.idx.msk [tilespmem:v33+s9+$0x0], $0xffff  }
0x219: {  	v48 =	vor.u32 $0x13, v7;
	v43 =	vor.u32 $0x12, v4;
	v44 =	vld.idx.msk [tilespmem:v63+s9+$0x0], $0xffff;
	[tilespmem:v34+s10+$0x0] =	vst.idx.msk $0xffff, v35  }
0x21a: {  	v49 =	vor.u32 $0x12, v10;
	v46 =	vor.u32 $0x13, v6;
	[tilespmem:v36+s10+$0x0] =	vst.idx.msk $0xffff, v8;
	v50 =	vld.idx.msk [tilespmem:v37+s9+$0x0], $0xffff  }
0x21b: {  	v51 =	vor.u32 $0x13, v11;
	v52 =	vor.u32 $0x12, v12;
	v9 =	vld.idx.msk [tilespmem:v38+s9+$0x0], $0xffff;
	[tilespmem:v3+s10+$0x0] =	vst.idx.msk $0xffff, v39  }
0x21c: {  	v53 =	vor.u32 $0x12, v14;
	v3 =	vor.u32 $0x13, v13;
	[tilespmem:v41+s10+$0x0] =	vst.idx.msk $0xffff, v40;
	v54 =	vld.idx.msk [tilespmem:v42+s9+$0x0], $0xffff  }
0x21d: {  	v55 =	vor.u32 $0x13, v16;
	v56 =	vor.u32 $0x12, v15;
	[tilespmem:v47+s10+$0x0] =	vst.idx.msk $0xffff, v19;
	v20 =	vld.idx.msk [tilespmem:v45+s9+$0x0], $0xffff  }
0x21e: {  	v2 =	vor.u32 $0x13, v2;
	v58 =	vor.u32 $0x13, v17;
	[tilespmem:v43+s10+$0x0] =	vst.idx.msk $0xffff, v44;
	v7 =	vld.idx.msk [tilespmem:v48+s9+$0x0], $0xffff  }
0x21f: {  	v57 =	vor.u32 $0x13, v4;
	v6 =	vld.idx.msk [tilespmem:v46+s9+$0x0], $0xffff;
	[tilespmem:v49+s10+$0x0] =	vst.idx.msk $0xffff, v50  }
0x220: {  	v59 =	vor.u32 $0x13, v10;
	[tilespmem:v52+s10+$0x0] =	vst.idx.msk $0xffff, v9;
	v8 =	vld.idx.msk [tilespmem:v51+s9+$0x0], $0xffff  }
0x221: {  	v60 =	vor.u32 $0x13, v12;
	v3 =	vld.idx.msk [tilespmem:v3+s9+$0x0], $0xffff;
	[tilespmem:v53+s10+$0x0] =	vst.idx.msk $0xffff, v54  }
0x222: {  	v61 =	vor.u32 $0x13, v14;
	[tilespmem:v56+s10+$0x0] =	vst.idx.msk $0xffff, v20;
	v5 =	vld.idx.msk [tilespmem:v55+s9+$0x0], $0xffff  }
0x223: {  	v63 =	vor.u32 $0x13, v15;
	[tilespmem:v2+s10+$0x0] =	vst.idx.msk $0xffff, v7;
	v62 =	vld.idx.msk [tilespmem:v58+s9+$0x0], $0xffff  }
0x224: {  	[tilespmem:v57+s10+$0x0] =	vst.idx.msk $0xffff, v6  }
0x225: {  	[tilespmem:v59+s10+$0x0] =	vst.idx.msk $0xffff, v8  }
0x226: {  	[tilespmem:v60+s10+$0x0] =	vst.idx.msk $0xffff, v3  }
0x227: {  	[tilespmem:v61+s10+$0x0] =	vst.idx.msk $0xffff, v5  }
0x228: {  	[tilespmem:v63+s10+$0x0] =	vst.idx.msk $0xffff, v62  }
0x229: {  	s13 =	sadd.s32 $0x1, s13;
	_ =	swait.ge [sflag:s11], $0x8000  }
0x22a: {  	p0 =	sne.s32 s13, s7;
	[sflag:s11] =	ssyncset.done $0x0  }
.Ltmp2:
0x22b: {  	[sflag:s11] =	ssyncadd.s32 $0xFFFF8000;
	(pc) =	sbr.rel @p0 .LBB2_1-.Ltmp2, $4  }
0x22c: {  	[hbm4b:s6+s3] =	stream.linear.scatter [tilespmem:s12], [sflag:$0x2], $0x8000, $0x38;
	[tilespmem:$0x10A00] =	vst v63  }
0x22d: {  	_ =	swait.ge [sflag:s8], $0x8000  }
0x22e: {  	[sflag:s8] =	ssyncset.done $0x0  }
0x22f: {  	[sflag:s8] =	ssyncadd.s32 $0xFFFF8000  }
0x230: {  	_ =	sfence.sel $0x180000  }
0x231: {  	[bflag:$0x0] =	sbarrier.arrive $0xFFFF  }
0x232: {  	p0 =	sne.s32 s2, $0x0;
	_ =	strace $0x90000047  }
0x233: {  	s0 =	sadd.s32 @!p0 $0x100000, s0;
	[bflag:$0x2] =	sbarrier.arrive $0xFFFF  }
0x234: {  	[sflag:s0] =	ssyncadd.tile.s32 @!p0 $0x1;
	_ =	shalt  }
.Lfunc_end2:
_tile_overlayer_lowered:
.L_overlay_start_2:
0x235: {  	(tag) =	ssettag $0x2  }
0x236: {  	s0 =	rddreg [dreg:$0x0];
	s2 =	stileid.u32  }
0x237: {  	s1 =	rddreg [dreg:$0x1];
	p0 =	sne.s32 s2, $0x0  }
0x238: {  	s3 =	rddreg [dreg:$0x2];
	[bflag:$0x3] =	sbarrier.arrive $0xFFFF;
	s2 =	simm.s32 @!p0 $0x1C02  }
0x239: {  	[timem:s3], [sflag:s2] =	dma.local @!p0 [hbm:s0], s1  }
0x23a: {  	s0 =	simm.s32 @!p0 $0x2  }
0x23b: {  	_ =	swait.ge @!p0 [sflag:s0], s1  }
0x23c: {  	s1 =	ssub.s32 @!p0 $0x0, s1;
	[sflag:s0] =	ssyncset.done @!p0 $0x0  }
0x23d: {  	[sflag:s0] =	ssyncadd.s32 @!p0 s1  }
0x23e: {  	[bflag:$0x3] =	sbarrier.arrive $0xFFFF  }
0x23f: {  	_ =	shalt  }

</sc_bundles>
